<compile_context>
chip_gen: v7x
topology: tpu7x:2x2x1
jax: 0.10.2.dev20260603
libtpu: 0.0.44.dev20260713+nightly
codegen_flags: <defaults>
</compile_context>

<pallas_src>
import jax
import jax.numpy as jnp
from jax import lax
from jax.experimental import pallas as pl
from jax.experimental.pallas import tpu as pltpu
from jax.experimental.pallas import tpu_sc as plsc

_D = 2048
_K = 36
_KP = 48
_NV = _KP // 16
_JITTER = 0.02
_NC = 2
_NS = 16
_NW = _NC * _NS
_L = 16
_CHUNK = 8
_NB = 4
_SB = 128


def _sc_body(x_hbm, n_hbm, idx_hbm, perm_hbm, gate_hbm,
             out_hbm, g_hbm,
             xbufs, nbufs, statsbufs, stat_sems, idxv, permv, meanv, gbuf,
             stage48,
             allv, sbuf, xin_sems, nin_sems, out_sems):
    rows = x_hbm.shape[0]
    rpw = rows // _NW
    cid = lax.axis_index("c")
    sid = lax.axis_index("s")
    wid = sid * _NC + cid
    base = wid * rpw

    lanes = lax.iota(jnp.int32, _L)
    zeros_i = jnp.zeros((_L,), jnp.int32)
    zeros_f = jnp.zeros((_L,), jnp.float32)
    masks = [lanes < (_K - _L * v) for v in range(_NV)]

    def _prologue_in(b, ci):
        r0 = base + ci * _CHUNK
        pltpu.async_copy(x_hbm.at[pl.ds(r0, _CHUNK)], xbufs[b],
                         xin_sems[b])
        pltpu.async_copy(n_hbm.at[pl.ds(r0, _CHUNK)], nbufs[b],
                         nin_sems[b])

    for v in range(_NV):
        idxv[pl.ds(_L * v, _L)] = zeros_i
        permv[pl.ds(_L * v, _L)] = zeros_i
    gbuf[...] = zeros_f
    pltpu.sync_copy(idx_hbm, idxv.at[pl.ds(0, _K)])
    pltpu.sync_copy(perm_hbm, permv.at[pl.ds(0, _K)])
    pltpu.sync_copy(gate_hbm, gbuf.at[pl.ds(0, 1)])

    gv = plsc.load_gather(gbuf, [zeros_i])
    g_sig = 1.0 / (1.0 + jnp.exp(-gv))
    sv_r = g_sig * _JITTER

    _prologue_in(0, 0)
    _prologue_in(1, 1)

    acc = [zeros_f for _ in range(_NV)]
    srow0 = sid * (rows // _NS)
    nstat = rows // _NS // _SB

    def stats_start(sb, k):
        pltpu.async_copy(n_hbm.at[pl.ds(srow0 + k * _SB, _SB)],
                         statsbufs[sb], stat_sems[sb])

    def stats_wait(sb):
        pltpu.make_async_copy(n_hbm.at[pl.ds(0, _SB)], statsbufs[sb],
                              stat_sems[sb]).wait()

    stats_start(0, 0)
    stats_start(1, 1)

    def stats_one(sb, k, accs):
        stats_wait(sb)

        def stats_row(r2, a):
            for rr in range(2):
                r = r2 * 2 + rr
                rv = jnp.full((_L,), r, jnp.int32)
                tail = jnp.where(
                    masks[2],
                    plsc.load_gather(statsbufs[sb], [rv, lanes + 2 * _L],
                                     mask=masks[2]),
                    0.0)
                a = (a[0] + statsbufs[sb][r, pl.ds(0, _L)],
                     a[1] + statsbufs[sb][r, pl.ds(_L, _L)],
                     a[2] + tail)
            return a

        accs = lax.fori_loop(0, _SB // 2, stats_row, accs)

        @pl.when(k + 2 < nstat)
        def _():
            stats_start(sb, k + 2)

        return accs

    def stats_pair(kp, accs):
        accs = stats_one(0, 2 * kp, accs)
        accs = stats_one(1, 2 * kp + 1, accs)
        return accs

    acc = lax.fori_loop(0, nstat // 2, stats_pair, tuple(acc))
    for v in range(_NV):
        stage48[pl.ds(_L * v, _L)] = acc[v]
    pltpu.sync_copy(stage48, sbuf.at[pl.ds(sid * _KP, _KP)])
    plsc.subcore_barrier()
    pltpu.sync_copy(sbuf, allv)
    scale = _JITTER / rows
    for v in range(_NV):
        tot = zeros_f
        for t in range(_NS):
            tot = tot + allv[pl.ds(t * _KP + _L * v, _L)]
        meanv[pl.ds(_L * v, _L)] = tot * scale

    nsrc_r = [permv[pl.ds(_L * v, _L)] for v in range(_NV)]
    dst_r = [idxv[pl.ds(_L * v, _L)] for v in range(_NV)]
    src_r = [plsc.load_gather(idxv, [nsrc_r[v]]) for v in range(_NV)]
    off_r = [g_sig * plsc.load_gather(meanv, [nsrc_r[v]])
             for v in range(_NV)]

    nchunks = rpw // _CHUNK

    start_in = _prologue_in

    def wait_in(b):
        pltpu.make_async_copy(x_hbm.at[pl.ds(0, _CHUNK)], xbufs[b],
                              xin_sems[b]).wait()
        pltpu.make_async_copy(n_hbm.at[pl.ds(0, _CHUNK)], nbufs[b],
                              nin_sems[b]).wait()

    def start_out(b, ci):
        r0 = base + ci * _CHUNK
        pltpu.async_copy(xbufs[b], out_hbm.at[pl.ds(r0, _CHUNK)],
                         out_sems[b])

    def wait_out(b):
        pltpu.make_async_copy(xbufs[b], out_hbm.at[pl.ds(0, _CHUNK)],
                              out_sems[b]).wait()

    def compute(b):
        def row_body(r, rcarry):
            rv = jnp.full((_L,), r, jnp.int32)
            vals = []
            for v in range(_NV):
                xg = plsc.load_gather(xbufs[b], [rv, src_r[v]],
                                      mask=masks[v])
                ng = plsc.load_gather(nbufs[b], [rv, nsrc_r[v]],
                                      mask=masks[v])
                vals.append(xg + sv_r * ng - off_r[v])
            for v in range(_NV):
                plsc.store_scatter(xbufs[b], [rv, dst_r[v]], vals[v],
                                   mask=masks[v])
            return rcarry

        lax.fori_loop(0, _CHUNK, row_body, 0)

    def group_body(gi, carry):
        for b in range(_NB):
            ci = gi * _NB + b
            wait_in(b)
            compute(b)
            start_out(b, ci)
            b2 = (b + 2) % _NB

            @pl.when(ci >= 2)
            def _():
                wait_out(b2)

            @pl.when(ci + 2 < nchunks)
            def _():
                start_in(b2, ci + 2)

        return carry

    lax.fori_loop(0, nchunks // _NB, group_body, 0)
    wait_out((nchunks - 2) % _NB)
    wait_out((nchunks - 1) % _NB)

    @pl.when(wid == 0)
    def _():
        gbuf[...] = g_sig
        pltpu.sync_copy(gbuf, g_hbm)


def kernel(x, gate, noise, idx, perm):
    b, t, d = x.shape
    rows = b * t
    x2 = x.reshape(rows, d)
    n2 = noise.reshape(rows, _K)

    mesh = plsc.VectorSubcoreMesh(core_axis_name="c", subcore_axis_name="s",
                                  num_cores=_NC, num_subcores=_NS)
    out2, gout = pl.kernel(
        _sc_body,
        out_type=[
            jax.ShapeDtypeStruct((rows, d), jnp.float32),
            jax.ShapeDtypeStruct((_L,), jnp.float32),
        ],
        mesh=mesh,
        compiler_params=pltpu.CompilerParams(needs_layout_passes=False),
        scratch_types=[
            [pltpu.VMEM((_CHUNK, d), jnp.float32) for _ in range(_NB)],
            [pltpu.VMEM((_CHUNK, _K), jnp.float32) for _ in range(_NB)],
            [pltpu.VMEM((_SB, _K), jnp.float32) for _ in range(2)],
            [pltpu.SemaphoreType.DMA for _ in range(2)],
            pltpu.VMEM((_KP,), jnp.int32),
            pltpu.VMEM((_KP,), jnp.int32),
            pltpu.VMEM((_KP,), jnp.float32),
            pltpu.VMEM((_L,), jnp.float32),
            pltpu.VMEM((_KP,), jnp.float32),
            pltpu.VMEM((_NS * _KP,), jnp.float32),
            pltpu.VMEM_SHARED((_NS * _KP,), jnp.float32),
            [pltpu.SemaphoreType.DMA for _ in range(_NB)],
            [pltpu.SemaphoreType.DMA for _ in range(_NB)],
            [pltpu.SemaphoreType.DMA for _ in range(_NB)],
        ],
    )(x2, n2, idx.astype(jnp.int32), perm.astype(jnp.int32),
      gate.reshape(1).astype(jnp.float32))

    return out2.reshape(b, t, d), gout[0]

# --- scband reference (transcript-rebuilt; emitter-appended) ---
"""Pipeline reference for scband-channel-jitter-exchange-893353198472 (READ-ONLY COPY).

The authoritative reference and input builder live on the scoring server;
editing this copy changes nothing except your own understanding.
"""

import jax, jax.numpy as jnp
import numpy as np

DIM = 2048
K = 36
JITTER_STD = 0.02


def setup_inputs(seed: int = 0) -> dict:
    key = jax.random.key(seed)
    k1, k2, k3, k4 = jax.random.split(key, 4)
    x = jax.random.normal(k1, (4, 4096, DIM), dtype=jnp.float32)
    # internal randomness of the torch module, materialized here deterministically
    noise = jax.random.normal(k2, (4, 4096, K), dtype=jnp.float32)
    idx = jax.random.permutation(k3, DIM)[:K].astype(jnp.int32)   # randperm(D)[:k]
    perm = jax.random.permutation(k4, K).astype(jnp.int32)        # randperm(k)
    gate = jnp.zeros((), dtype=jnp.float32)                        # learnable gate param init 0.0
    return {"x": x, "gate": gate, "noise": noise, "idx": idx, "perm": perm}


def reference(x, gate, noise, idx, perm):
    # noise = randn * jitter_std, then zero-mean over (B, T)
    n = noise * JITTER_STD
    n = n - jnp.mean(n, axis=(0, 1), keepdims=True)
    g = jax.nn.sigmoid(gate)
    # x_new[:, :, idx] += gate * noise  (scatter-add on channel axis)
    x_new = x.at[:, :, idx].add(g * n)
    # gather selected channels, permute, scatter-overwrite back
    x_sel = x_new[:, :, idx][:, :, perm]
    x_new = x_new.at[:, :, idx].set(x_sel)
    return (x_new, g)

if __name__ == "__main__":
    import jax
    _d = setup_inputs()
    print(jax.jit(kernel)(*tuple(_d.values())))

</pallas_src>

<mosaic_0001>
#map = affine_map<(d0, d1) -> (0, 0)>
#map1 = affine_map<(d0, d1) -> (0)>
module attributes {stable_mosaic.version = 14 : i64} {
  func.func @_sc_body(%arg0: i32, %arg1: i32, %arg2: memref<16384x2048xf32, #tpu.memory_space<hbm>>, %arg3: memref<16384x36xf32, #tpu.memory_space<hbm>>, %arg4: memref<36xi32, #tpu.memory_space<hbm>>, %arg5: memref<36xi32, #tpu.memory_space<hbm>>, %arg6: memref<1xf32, #tpu.memory_space<hbm>>, %arg7: memref<16384x2048xf32, #tpu.memory_space<hbm>>, %arg8: memref<16xf32, #tpu.memory_space<hbm>>, %arg9: memref<8x2048xf32, #tpu.memory_space<vmem>>, %arg10: memref<8x2048xf32, #tpu.memory_space<vmem>>, %arg11: memref<8x2048xf32, #tpu.memory_space<vmem>>, %arg12: memref<8x2048xf32, #tpu.memory_space<vmem>>, %arg13: memref<8x36xf32, #tpu.memory_space<vmem>>, %arg14: memref<8x36xf32, #tpu.memory_space<vmem>>, %arg15: memref<8x36xf32, #tpu.memory_space<vmem>>, %arg16: memref<8x36xf32, #tpu.memory_space<vmem>>, %arg17: memref<128x36xf32, #tpu.memory_space<vmem>>, %arg18: memref<128x36xf32, #tpu.memory_space<vmem>>, %arg19: memref<!tpu.dma_semaphore, #tpu.memory_space<semaphore_mem>>, %arg20: memref<!tpu.dma_semaphore, #tpu.memory_space<semaphore_mem>>, %arg21: memref<48xi32, #tpu.memory_space<vmem>>, %arg22: memref<48xi32, #tpu.memory_space<vmem>>, %arg23: memref<48xf32, #tpu.memory_space<vmem>>, %arg24: memref<16xf32, #tpu.memory_space<vmem>>, %arg25: memref<48xf32, #tpu.memory_space<vmem>>, %arg26: memref<768xf32, #tpu.memory_space<vmem>>, %arg27: memref<768xf32, #tpu.memory_space<vmem_shared>>, %arg28: memref<!tpu.dma_semaphore, #tpu.memory_space<semaphore_mem>>, %arg29: memref<!tpu.dma_semaphore, #tpu.memory_space<semaphore_mem>>, %arg30: memref<!tpu.dma_semaphore, #tpu.memory_space<semaphore_mem>>, %arg31: memref<!tpu.dma_semaphore, #tpu.memory_space<semaphore_mem>>, %arg32: memref<!tpu.dma_semaphore, #tpu.memory_space<semaphore_mem>>, %arg33: memref<!tpu.dma_semaphore, #tpu.memory_space<semaphore_mem>>, %arg34: memref<!tpu.dma_semaphore, #tpu.memory_space<semaphore_mem>>, %arg35: memref<!tpu.dma_semaphore, #tpu.memory_space<semaphore_mem>>, %arg36: memref<!tpu.dma_semaphore, #tpu.memory_space<semaphore_mem>>, %arg37: memref<!tpu.dma_semaphore, #tpu.memory_space<semaphore_mem>>, %arg38: memref<!tpu.dma_semaphore, #tpu.memory_space<semaphore_mem>>, %arg39: memref<!tpu.dma_semaphore, #tpu.memory_space<semaphore_mem>>) attributes {dimension_semantics = [#tpu.dimension_semantics<core_parallel>, #tpu.dimension_semantics<subcore_parallel>], iteration_bounds = array<i64: 2, 16>, scalar_prefetch = 0 : i64, scratch_operands = 31 : i64, tpu.core_type = #tpu.core_type<sc_vector_subcore>, window_params = [{transform_indices = #map}, {transform_indices = #map}, {transform_indices = #map1}, {transform_indices = #map1}, {transform_indices = #map1}, {transform_indices = #map}, {transform_indices = #map1}]} {
    %mul3A = arith.constant 2 : i32
    %mul3A_0 = arith.muli %arg1, %mul3A : i32
    %add3A = arith.addi %mul3A_0, %arg0 : i32
    %mul3A_1 = arith.constant 512 : i32
    %mul3A_2 = arith.muli %add3A, %mul3A_1 : i32
    %iota3A = tpu.iota {dimensions = array<i32: 0>} : vector<16xi32>
    %broadcast_in_dim3A = arith.constant 0 : i32
    %broadcast_in_dim3A_3 = vector.broadcast %broadcast_in_dim3A : i32 to vector<16xi32>
    %broadcast_in_dim3A_4 = arith.constant 0.000000e+00 : f32
    %broadcast_in_dim3A_5 = vector.broadcast %broadcast_in_dim3A_4 : f32 to vector<16xf32>
    %lt3A = arith.constant 36 : i32
    %lt3A_6 = vector.broadcast %lt3A : i32 to vector<16xi32>
    %lt3A_7 = arith.cmpi slt, %iota3A, %lt3A_6 : vector<16xi32>
    %lt3A_8 = arith.constant 20 : i32
    %lt3A_9 = vector.broadcast %lt3A_8 : i32 to vector<16xi32>
    %lt3A_10 = arith.cmpi slt, %iota3A, %lt3A_9 : vector<16xi32>
    %lt3A_11 = arith.constant 4 : i32
    %lt3A_12 = vector.broadcast %lt3A_11 : i32 to vector<16xi32>
    %lt3A_13 = arith.cmpi slt, %iota3A, %lt3A_12 : vector<16xi32>
    %swap3A = arith.constant 0 : index
    %swap3A_14 = tpu.vector_load %arg21[%swap3A] {strides = array<i32>} : memref<48xi32, #tpu.memory_space<vmem>>, vector<16xi32>,
    tpu.vector_store %arg21[%swap3A], %broadcast_in_dim3A_3 {strides = array<i32>} : memref<48xi32, #tpu.memory_space<vmem>>, vector<16xi32>,
    %swap3A_15 = arith.constant 0 : index
    %swap3A_16 = tpu.vector_load %arg22[%swap3A_15] {strides = array<i32>} : memref<48xi32, #tpu.memory_space<vmem>>, vector<16xi32>,
    tpu.vector_store %arg22[%swap3A_15], %broadcast_in_dim3A_3 {strides = array<i32>} : memref<48xi32, #tpu.memory_space<vmem>>, vector<16xi32>,
    %swap3A_17 = arith.constant 16 : index
    %swap3A_18 = tpu.vector_load %arg21[%swap3A_17] {strides = array<i32>} : memref<48xi32, #tpu.memory_space<vmem>>, vector<16xi32>,
    tpu.vector_store %arg21[%swap3A_17], %broadcast_in_dim3A_3 {strides = array<i32>} : memref<48xi32, #tpu.memory_space<vmem>>, vector<16xi32>,
    %swap3A_19 = arith.constant 16 : index
    %swap3A_20 = tpu.vector_load %arg22[%swap3A_19] {strides = array<i32>} : memref<48xi32, #tpu.memory_space<vmem>>, vector<16xi32>,
    tpu.vector_store %arg22[%swap3A_19], %broadcast_in_dim3A_3 {strides = array<i32>} : memref<48xi32, #tpu.memory_space<vmem>>, vector<16xi32>,
    %swap3A_21 = arith.constant 32 : index
    %swap3A_22 = tpu.vector_load %arg21[%swap3A_21] {strides = array<i32>} : memref<48xi32, #tpu.memory_space<vmem>>, vector<16xi32>,
    tpu.vector_store %arg21[%swap3A_21], %broadcast_in_dim3A_3 {strides = array<i32>} : memref<48xi32, #tpu.memory_space<vmem>>, vector<16xi32>,
    %swap3A_23 = arith.constant 32 : index
    %swap3A_24 = tpu.vector_load %arg22[%swap3A_23] {strides = array<i32>} : memref<48xi32, #tpu.memory_space<vmem>>, vector<16xi32>,
    tpu.vector_store %arg22[%swap3A_23], %broadcast_in_dim3A_3 {strides = array<i32>} : memref<48xi32, #tpu.memory_space<vmem>>, vector<16xi32>,
    %swap3A_25 = arith.constant 0 : index
    %swap3A_26 = tpu.vector_load %arg24[%swap3A_25] {strides = array<i32>} : memref<16xf32, #tpu.memory_space<vmem>>, vector<16xf32>,
    tpu.vector_store %arg24[%swap3A_25], %broadcast_in_dim3A_5 {strides = array<i32>} : memref<16xf32, #tpu.memory_space<vmem>>, vector<16xf32>,
    "tpu.region"() ({
      %run_scoped3A = tpu.sem_alloc : memref<!tpu.dma_semaphore, #tpu.memory_space<semaphore_mem>>
      %dma_start3A_281 = arith.constant 0 : i32
      %dma_start3A_282 = tpu.memref_slice %arg21[%dma_start3A_281] : memref<48xi32, #tpu.memory_space<vmem>> -> memref<36xi32, #tpu.memory_space<vmem>>
      %dma_start3A_283 = arith.constant 0 : i32
      %dma_start3A_284 = tpu.memref_slice %arg21[%dma_start3A_283] : memref<48xi32, #tpu.memory_space<vmem>> -> memref<36xi32, #tpu.memory_space<vmem>>
      tpu.enqueue_dma source(%arg4 : memref<36xi32, #tpu.memory_space<hbm>>) target(%dma_start3A_284 : memref<36xi32, #tpu.memory_space<vmem>>) target_semaphore(%run_scoped3A : memref<!tpu.dma_semaphore, #tpu.memory_space<semaphore_mem>>)
      %dma_wait3A_285 = arith.constant 0 : i32
      %dma_wait3A_286 = tpu.memref_slice %arg21[%dma_wait3A_285] : memref<48xi32, #tpu.memory_space<vmem>> -> memref<36xi32, #tpu.memory_space<vmem>>
      %dma_wait3A_287 = arith.constant 0 : i32
      %dma_wait3A_288 = tpu.memref_slice %arg21[%dma_wait3A_287] : memref<48xi32, #tpu.memory_space<vmem>> -> memref<36xi32, #tpu.memory_space<vmem>>
      tpu.wait_dma2 semaphore(%run_scoped3A : memref<!tpu.dma_semaphore, #tpu.memory_space<semaphore_mem>>) src(%arg4 : memref<36xi32, #tpu.memory_space<hbm>>) dst(%dma_wait3A_288 : memref<36xi32, #tpu.memory_space<vmem>>)
      tpu.yield
    }) : () -> ()
    "tpu.region"() ({
      %run_scoped3A = tpu.sem_alloc : memref<!tpu.dma_semaphore, #tpu.memory_space<semaphore_mem>>
      %dma_start3A_281 = arith.constant 0 : i32
      %dma_start3A_282 = tpu.memref_slice %arg22[%dma_start3A_281] : memref<48xi32, #tpu.memory_space<vmem>> -> memref<36xi32, #tpu.memory_space<vmem>>
      %dma_start3A_283 = arith.constant 0 : i32
      %dma_start3A_284 = tpu.memref_slice %arg22[%dma_start3A_283] : memref<48xi32, #tpu.memory_space<vmem>> -> memref<36xi32, #tpu.memory_space<vmem>>
      tpu.enqueue_dma source(%arg5 : memref<36xi32, #tpu.memory_space<hbm>>) target(%dma_start3A_284 : memref<36xi32, #tpu.memory_space<vmem>>) target_semaphore(%run_scoped3A : memref<!tpu.dma_semaphore, #tpu.memory_space<semaphore_mem>>)
      %dma_wait3A_285 = arith.constant 0 : i32
      %dma_wait3A_286 = tpu.memref_slice %arg22[%dma_wait3A_285] : memref<48xi32, #tpu.memory_space<vmem>> -> memref<36xi32, #tpu.memory_space<vmem>>
      %dma_wait3A_287 = arith.constant 0 : i32
      %dma_wait3A_288 = tpu.memref_slice %arg22[%dma_wait3A_287] : memref<48xi32, #tpu.memory_space<vmem>> -> memref<36xi32, #tpu.memory_space<vmem>>
      tpu.wait_dma2 semaphore(%run_scoped3A : memref<!tpu.dma_semaphore, #tpu.memory_space<semaphore_mem>>) src(%arg5 : memref<36xi32, #tpu.memory_space<hbm>>) dst(%dma_wait3A_288 : memref<36xi32, #tpu.memory_space<vmem>>)
      tpu.yield
    }) : () -> ()
    "tpu.region"() ({
      %run_scoped3A = tpu.sem_alloc : memref<!tpu.dma_semaphore, #tpu.memory_space<semaphore_mem>>
      %dma_start3A_281 = arith.constant 0 : i32
      %dma_start3A_282 = tpu.memref_slice %arg24[%dma_start3A_281] : memref<16xf32, #tpu.memory_space<vmem>> -> memref<1xf32, #tpu.memory_space<vmem>>
      %dma_start3A_283 = arith.constant 0 : i32
      %dma_start3A_284 = tpu.memref_slice %arg24[%dma_start3A_283] : memref<16xf32, #tpu.memory_space<vmem>> -> memref<1xf32, #tpu.memory_space<vmem>>
      tpu.enqueue_dma source(%arg6 : memref<1xf32, #tpu.memory_space<hbm>>) target(%dma_start3A_284 : memref<1xf32, #tpu.memory_space<vmem>>) target_semaphore(%run_scoped3A : memref<!tpu.dma_semaphore, #tpu.memory_space<semaphore_mem>>)
      %dma_wait3A_285 = arith.constant 0 : i32
      %dma_wait3A_286 = tpu.memref_slice %arg24[%dma_wait3A_285] : memref<16xf32, #tpu.memory_space<vmem>> -> memref<1xf32, #tpu.memory_space<vmem>>
      %dma_wait3A_287 = arith.constant 0 : i32
      %dma_wait3A_288 = tpu.memref_slice %arg24[%dma_wait3A_287] : memref<16xf32, #tpu.memory_space<vmem>> -> memref<1xf32, #tpu.memory_space<vmem>>
      tpu.wait_dma2 semaphore(%run_scoped3A : memref<!tpu.dma_semaphore, #tpu.memory_space<semaphore_mem>>) src(%arg6 : memref<1xf32, #tpu.memory_space<hbm>>) dst(%dma_wait3A_288 : memref<1xf32, #tpu.memory_space<vmem>>)
      tpu.yield
    }) : () -> ()
    %gather3A = tpu.vector_load_idx %arg24[%broadcast_in_dim3A_3] : memref<16xf32, #tpu.memory_space<vmem>>[vector<16xi32>], vector<16xf32>,
    %neg3A = arith.constant 0.000000e+00 : f32
    %neg3A_27 = vector.broadcast %neg3A : f32 to vector<16xf32>
    %neg3A_28 = arith.subf %neg3A_27, %gather3A : vector<16xf32>
    %exp3A = math.exp %neg3A_28 : vector<16xf32>
    %add3A_29 = arith.constant 1.000000e+00 : f32
    %add3A_30 = vector.broadcast %add3A_29 : f32 to vector<16xf32>
    %add3A_31 = arith.addf %add3A_30, %exp3A : vector<16xf32>
    %div3A = arith.constant 1.000000e+00 : f32
    %div3A_32 = vector.broadcast %div3A : f32 to vector<16xf32>
    %div3A_33 = arith.divf %div3A_32, %add3A_31 : vector<16xf32>
    %mul3A_34 = arith.constant 2.000000e-02 : f32
    %mul3A_35 = vector.broadcast %mul3A_34 : f32 to vector<16xf32>
    %mul3A_36 = arith.mulf %div3A_33, %mul3A_35 : vector<16xf32>
    %add3A_37 = arith.constant 0 : i32
    %add3A_38 = arith.addi %mul3A_2, %add3A_37 : i32
    %dma_start3A = arith.constant 0 : i32
    %dma_start3A_39 = tpu.memref_slice %arg2[%add3A_38, %dma_start3A] : memref<16384x2048xf32, #tpu.memory_space<hbm>> -> memref<8x2048xf32, #tpu.memory_space<hbm>>
    %dma_start3A_40 = arith.constant 0 : i32
    %dma_start3A_41 = tpu.memref_slice %arg2[%add3A_38, %dma_start3A_40] : memref<16384x2048xf32, #tpu.memory_space<hbm>> -> memref<8x2048xf32, #tpu.memory_space<hbm>>
    tpu.enqueue_dma source(%dma_start3A_41 : memref<8x2048xf32, #tpu.memory_space<hbm>>) target(%arg9 : memref<8x2048xf32, #tpu.memory_space<vmem>>) target_semaphore(%arg28 : memref<!tpu.dma_semaphore, #tpu.memory_space<semaphore_mem>>)
    %dma_start3A_42 = arith.constant 0 : i32
    %dma_start3A_43 = tpu.memref_slice %arg3[%add3A_38, %dma_start3A_42] : memref<16384x36xf32, #tpu.memory_space<hbm>> -> memref<8x36xf32, #tpu.memory_space<hbm>>
    %dma_start3A_44 = arith.constant 0 : i32
    %dma_start3A_45 = tpu.memref_slice %arg3[%add3A_38, %dma_start3A_44] : memref<16384x36xf32, #tpu.memory_space<hbm>> -> memref<8x36xf32, #tpu.memory_space<hbm>>
    tpu.enqueue_dma source(%dma_start3A_45 : memref<8x36xf32, #tpu.memory_space<hbm>>) target(%arg13 : memref<8x36xf32, #tpu.memory_space<vmem>>) target_semaphore(%arg32 : memref<!tpu.dma_semaphore, #tpu.memory_space<semaphore_mem>>)
    %add3A_46 = arith.constant 8 : i32
    %add3A_47 = arith.addi %mul3A_2, %add3A_46 : i32
    %dma_start3A_48 = arith.constant 0 : i32
    %dma_start3A_49 = tpu.memref_slice %arg2[%add3A_47, %dma_start3A_48] : memref<16384x2048xf32, #tpu.memory_space<hbm>> -> memref<8x2048xf32, #tpu.memory_space<hbm>>
    %dma_start3A_50 = arith.constant 0 : i32
    %dma_start3A_51 = tpu.memref_slice %arg2[%add3A_47, %dma_start3A_50] : memref<16384x2048xf32, #tpu.memory_space<hbm>> -> memref<8x2048xf32, #tpu.memory_space<hbm>>
    tpu.enqueue_dma source(%dma_start3A_51 : memref<8x2048xf32, #tpu.memory_space<hbm>>) target(%arg10 : memref<8x2048xf32, #tpu.memory_space<vmem>>) target_semaphore(%arg29 : memref<!tpu.dma_semaphore, #tpu.memory_space<semaphore_mem>>)
    %dma_start3A_52 = arith.constant 0 : i32
    %dma_start3A_53 = tpu.memref_slice %arg3[%add3A_47, %dma_start3A_52] : memref<16384x36xf32, #tpu.memory_space<hbm>> -> memref<8x36xf32, #tpu.memory_space<hbm>>
    %dma_start3A_54 = arith.constant 0 : i32
    %dma_start3A_55 = tpu.memref_slice %arg3[%add3A_47, %dma_start3A_54] : memref<16384x36xf32, #tpu.memory_space<hbm>> -> memref<8x36xf32, #tpu.memory_space<hbm>>
    tpu.enqueue_dma source(%dma_start3A_55 : memref<8x36xf32, #tpu.memory_space<hbm>>) target(%arg14 : memref<8x36xf32, #tpu.memory_space<vmem>>) target_semaphore(%arg33 : memref<!tpu.dma_semaphore, #tpu.memory_space<semaphore_mem>>)
    %mul3A_56 = arith.constant 1024 : i32
    %mul3A_57 = arith.muli %arg1, %mul3A_56 : i32
    %add3A_58 = arith.constant 0 : i32
    %add3A_59 = arith.addi %mul3A_57, %add3A_58 : i32
    %dma_start3A_60 = arith.constant 0 : i32
    %dma_start3A_61 = tpu.memref_slice %arg3[%add3A_59, %dma_start3A_60] : memref<16384x36xf32, #tpu.memory_space<hbm>> -> memref<128x36xf32, #tpu.memory_space<hbm>>
    %dma_start3A_62 = arith.constant 0 : i32
    %dma_start3A_63 = tpu.memref_slice %arg3[%add3A_59, %dma_start3A_62] : memref<16384x36xf32, #tpu.memory_space<hbm>> -> memref<128x36xf32, #tpu.memory_space<hbm>>
    tpu.enqueue_dma source(%dma_start3A_63 : memref<128x36xf32, #tpu.memory_space<hbm>>) target(%arg17 : memref<128x36xf32, #tpu.memory_space<vmem>>) target_semaphore(%arg19 : memref<!tpu.dma_semaphore, #tpu.memory_space<semaphore_mem>>)
    %add3A_64 = arith.constant 128 : i32
    %add3A_65 = arith.addi %mul3A_57, %add3A_64 : i32
    %dma_start3A_66 = arith.constant 0 : i32
    %dma_start3A_67 = tpu.memref_slice %arg3[%add3A_65, %dma_start3A_66] : memref<16384x36xf32, #tpu.memory_space<hbm>> -> memref<128x36xf32, #tpu.memory_space<hbm>>
    %dma_start3A_68 = arith.constant 0 : i32
    %dma_start3A_69 = tpu.memref_slice %arg3[%add3A_65, %dma_start3A_68] : memref<16384x36xf32, #tpu.memory_space<hbm>> -> memref<128x36xf32, #tpu.memory_space<hbm>>
    tpu.enqueue_dma source(%dma_start3A_69 : memref<128x36xf32, #tpu.memory_space<hbm>>) target(%arg18 : memref<128x36xf32, #tpu.memory_space<vmem>>) target_semaphore(%arg20 : memref<!tpu.dma_semaphore, #tpu.memory_space<semaphore_mem>>)
    %scan3A = arith.constant 0 : i32
    %scan3A_70 = arith.constant 4 : i32
    %scan3A_71 = arith.addi %scan3A, %scan3A_70 : i32
    %scan3A_72 = arith.constant 1 : i32
    %scan3A_73:3 = scf.for %scan3A_281 = %scan3A to %scan3A_71 step %scan3A_72 iter_args(%scan3A_282 = %broadcast_in_dim3A_5, %scan3A_283 = %broadcast_in_dim3A_5, %scan3A_284 = %broadcast_in_dim3A_5) -> (vector<16xf32>, vector<16xf32>, vector<16xf32>)  : i32 {
      %mul3A_285 = arith.constant 2 : i32
      %mul3A_286 = arith.muli %mul3A_285, %scan3A_281 : i32
      %dma_wait3A_287 = arith.constant 0 : i32
      %dma_wait3A_288 = arith.constant 0 : i32
      %dma_wait3A_289 = tpu.memref_slice %arg3[%dma_wait3A_287, %dma_wait3A_288] : memref<16384x36xf32, #tpu.memory_space<hbm>> -> memref<128x36xf32, #tpu.memory_space<hbm>>
      %dma_wait3A_290 = arith.constant 0 : i32
      %dma_wait3A_291 = arith.constant 0 : i32
      %dma_wait3A_292 = tpu.memref_slice %arg3[%dma_wait3A_290, %dma_wait3A_291] : memref<16384x36xf32, #tpu.memory_space<hbm>> -> memref<128x36xf32, #tpu.memory_space<hbm>>
      tpu.wait_dma2 semaphore(%arg19 : memref<!tpu.dma_semaphore, #tpu.memory_space<semaphore_mem>>) src(%dma_wait3A_292 : memref<128x36xf32, #tpu.memory_space<hbm>>) dst(%arg17 : memref<128x36xf32, #tpu.memory_space<vmem>>)
      %scan3A_293 = arith.constant 0 : i32
      %scan3A_294 = arith.constant 64 : i32
      %scan3A_295 = arith.addi %scan3A_293, %scan3A_294 : i32
      %scan3A_296 = arith.constant 1 : i32
      %scan3A_297:3 = scf.for %scan3A_329 = %scan3A_293 to %scan3A_295 step %scan3A_296 iter_args(%scan3A_330 = %scan3A_282, %scan3A_331 = %scan3A_283, %scan3A_332 = %scan3A_284) -> (vector<16xf32>, vector<16xf32>, vector<16xf32>)  : i32 {
        %mul3A_333 = arith.constant 2 : i32
        %mul3A_334 = arith.muli %scan3A_329, %mul3A_333 : i32
        %add3A_335 = arith.constant 0 : i32
        %add3A_336 = arith.addi %mul3A_334, %add3A_335 : i32
        %broadcast_in_dim3A_337 = vector.broadcast %add3A_336 : i32 to vector<16xi32>
        %add3A_338 = arith.constant 32 : i32
        %add3A_339 = vector.broadcast %add3A_338 : i32 to vector<16xi32>
        %add3A_340 = arith.addi %iota3A, %add3A_339 : vector<16xi32>
        %gather3A_341 = tpu.vector_load_idx %arg17[%broadcast_in_dim3A_337, %add3A_340] masked %lt3A_13 : memref<128x36xf32, #tpu.memory_space<vmem>>[vector<16xi32>, vector<16xi32>], vector<16xf32>, vector<16xi1>
        %jit3A = arith.constant 0.000000e+00 : f32
        %broadcast_in_dim3A_342 = vector.broadcast %jit3A : f32 to vector<16xf32>
        %select_n3A = arith.select %lt3A_13, %gather3A_341, %broadcast_in_dim3A_342 : vector<16xi1>, vector<16xf32>
        %get3A_343 = arith.index_cast %add3A_336 : i32 to index
        %get3A_344 = arith.constant 0 : index
        %get3A_345 = tpu.vector_load %arg17[%get3A_343, %get3A_344] {strides = array<i32>} : memref<128x36xf32, #tpu.memory_space<vmem>>, vector<16xf32>,
        %add3A_346 = arith.addf %scan3A_330, %get3A_345 : vector<16xf32>
        %get3A_347 = arith.index_cast %add3A_336 : i32 to index
        %get3A_348 = arith.constant 16 : index
        %get3A_349 = tpu.vector_load %arg17[%get3A_347, %get3A_348] {strides = array<i32>} : memref<128x36xf32, #tpu.memory_space<vmem>>, vector<16xf32>,
        %add3A_350 = arith.addf %scan3A_331, %get3A_349 : vector<16xf32>
        %add3A_351 = arith.addf %scan3A_332, %select_n3A : vector<16xf32>
        %mul3A_352 = arith.constant 2 : i32
        %mul3A_353 = arith.muli %scan3A_329, %mul3A_352 : i32
        %add3A_354 = arith.constant 1 : i32
        %add3A_355 = arith.addi %mul3A_353, %add3A_354 : i32
        %broadcast_in_dim3A_356 = vector.broadcast %add3A_355 : i32 to vector<16xi32>
        %add3A_357 = arith.constant 32 : i32
        %add3A_358 = vector.broadcast %add3A_357 : i32 to vector<16xi32>
        %add3A_359 = arith.addi %iota3A, %add3A_358 : vector<16xi32>
        %gather3A_360 = tpu.vector_load_idx %arg17[%broadcast_in_dim3A_356, %add3A_359] masked %lt3A_13 : memref<128x36xf32, #tpu.memory_space<vmem>>[vector<16xi32>, vector<16xi32>], vector<16xf32>, vector<16xi1>
        %jit3A_361 = arith.constant 0.000000e+00 : f32
        %broadcast_in_dim3A_362 = vector.broadcast %jit3A_361 : f32 to vector<16xf32>
        %select_n3A_363 = arith.select %lt3A_13, %gather3A_360, %broadcast_in_dim3A_362 : vector<16xi1>, vector<16xf32>
        %get3A_364 = arith.index_cast %add3A_355 : i32 to index
        %get3A_365 = arith.constant 0 : index
        %get3A_366 = tpu.vector_load %arg17[%get3A_364, %get3A_365] {strides = array<i32>} : memref<128x36xf32, #tpu.memory_space<vmem>>, vector<16xf32>,
        %add3A_367 = arith.addf %add3A_346, %get3A_366 : vector<16xf32>
        %get3A_368 = arith.index_cast %add3A_355 : i32 to index
        %get3A_369 = arith.constant 16 : index
        %get3A_370 = tpu.vector_load %arg17[%get3A_368, %get3A_369] {strides = array<i32>} : memref<128x36xf32, #tpu.memory_space<vmem>>, vector<16xf32>,
        %add3A_371 = arith.addf %add3A_350, %get3A_370 : vector<16xf32>
        %add3A_372 = arith.addf %add3A_351, %select_n3A_363 : vector<16xf32>
        scf.yield %add3A_367, %add3A_371, %add3A_372 : vector<16xf32>, vector<16xf32>, vector<16xf32>
      }
      %scan3A_298 = arith.constant 64 : i32
      %add3A_299 = arith.constant 2 : i32
      %add3A_300 = arith.addi %mul3A_286, %add3A_299 : i32
      %lt3A_301 = arith.constant 8 : i32
      %lt3A_302 = arith.cmpi slt, %add3A_300, %lt3A_301 : i32
      %convert_element_type3A_303 = arith.extui %lt3A_302 : i1 to i32
      %cond3A_304 = arith.constant 0 : i32
      %cond3A_305 = arith.cmpi ne, %convert_element_type3A_303, %cond3A_304 : i32
      scf.if %cond3A_305 {
        %add3A_329 = arith.constant 2 : i32
        %add3A_330 = arith.addi %mul3A_286, %add3A_329 : i32
        %mul3A_331 = arith.constant 128 : i32
        %mul3A_332 = arith.muli %add3A_330, %mul3A_331 : i32
        %add3A_333 = arith.addi %mul3A_57, %mul3A_332 : i32
        %dma_start3A_334 = arith.constant 0 : i32
        %dma_start3A_335 = tpu.memref_slice %arg3[%add3A_333, %dma_start3A_334] : memref<16384x36xf32, #tpu.memory_space<hbm>> -> memref<128x36xf32, #tpu.memory_space<hbm>>
        %dma_start3A_336 = arith.constant 0 : i32
        %dma_start3A_337 = tpu.memref_slice %arg3[%add3A_333, %dma_start3A_336] : memref<16384x36xf32, #tpu.memory_space<hbm>> -> memref<128x36xf32, #tpu.memory_space<hbm>>
        tpu.enqueue_dma source(%dma_start3A_337 : memref<128x36xf32, #tpu.memory_space<hbm>>) target(%arg17 : memref<128x36xf32, #tpu.memory_space<vmem>>) target_semaphore(%arg19 : memref<!tpu.dma_semaphore, #tpu.memory_space<semaphore_mem>>)
      } else {
      }
      %mul3A_306 = arith.constant 2 : i32
      %mul3A_307 = arith.muli %mul3A_306, %scan3A_281 : i32
      %add3A_308 = arith.constant 1 : i32
      %add3A_309 = arith.addi %mul3A_307, %add3A_308 : i32
      %dma_wait3A_310 = arith.constant 0 : i32
      %dma_wait3A_311 = arith.constant 0 : i32
      %dma_wait3A_312 = tpu.memref_slice %arg3[%dma_wait3A_310, %dma_wait3A_311] : memref<16384x36xf32, #tpu.memory_space<hbm>> -> memref<128x36xf32, #tpu.memory_space<hbm>>
      %dma_wait3A_313 = arith.constant 0 : i32
      %dma_wait3A_314 = arith.constant 0 : i32
      %dma_wait3A_315 = tpu.memref_slice %arg3[%dma_wait3A_313, %dma_wait3A_314] : memref<16384x36xf32, #tpu.memory_space<hbm>> -> memref<128x36xf32, #tpu.memory_space<hbm>>
      tpu.wait_dma2 semaphore(%arg20 : memref<!tpu.dma_semaphore, #tpu.memory_space<semaphore_mem>>) src(%dma_wait3A_315 : memref<128x36xf32, #tpu.memory_space<hbm>>) dst(%arg18 : memref<128x36xf32, #tpu.memory_space<vmem>>)
      %scan3A_316 = arith.constant 0 : i32
      %scan3A_317 = arith.constant 64 : i32
      %scan3A_318 = arith.addi %scan3A_316, %scan3A_317 : i32
      %scan3A_319 = arith.constant 1 : i32
      %scan3A_320:3 = scf.for %scan3A_329 = %scan3A_316 to %scan3A_318 step %scan3A_319 iter_args(%scan3A_330 = %scan3A_297#0, %scan3A_331 = %scan3A_297#1, %scan3A_332 = %scan3A_297#2) -> (vector<16xf32>, vector<16xf32>, vector<16xf32>)  : i32 {
        %mul3A_333 = arith.constant 2 : i32
        %mul3A_334 = arith.muli %scan3A_329, %mul3A_333 : i32
        %add3A_335 = arith.constant 0 : i32
        %add3A_336 = arith.addi %mul3A_334, %add3A_335 : i32
        %broadcast_in_dim3A_337 = vector.broadcast %add3A_336 : i32 to vector<16xi32>
        %add3A_338 = arith.constant 32 : i32
        %add3A_339 = vector.broadcast %add3A_338 : i32 to vector<16xi32>
        %add3A_340 = arith.addi %iota3A, %add3A_339 : vector<16xi32>
        %gather3A_341 = tpu.vector_load_idx %arg18[%broadcast_in_dim3A_337, %add3A_340] masked %lt3A_13 : memref<128x36xf32, #tpu.memory_space<vmem>>[vector<16xi32>, vector<16xi32>], vector<16xf32>, vector<16xi1>
        %jit3A = arith.constant 0.000000e+00 : f32
        %broadcast_in_dim3A_342 = vector.broadcast %jit3A : f32 to vector<16xf32>
        %select_n3A = arith.select %lt3A_13, %gather3A_341, %broadcast_in_dim3A_342 : vector<16xi1>, vector<16xf32>
        %get3A_343 = arith.index_cast %add3A_336 : i32 to index
        %get3A_344 = arith.constant 0 : index
        %get3A_345 = tpu.vector_load %arg18[%get3A_343, %get3A_344] {strides = array<i32>} : memref<128x36xf32, #tpu.memory_space<vmem>>, vector<16xf32>,
        %add3A_346 = arith.addf %scan3A_330, %get3A_345 : vector<16xf32>
        %get3A_347 = arith.index_cast %add3A_336 : i32 to index
        %get3A_348 = arith.constant 16 : index
        %get3A_349 = tpu.vector_load %arg18[%get3A_347, %get3A_348] {strides = array<i32>} : memref<128x36xf32, #tpu.memory_space<vmem>>, vector<16xf32>,
        %add3A_350 = arith.addf %scan3A_331, %get3A_349 : vector<16xf32>
        %add3A_351 = arith.addf %scan3A_332, %select_n3A : vector<16xf32>
        %mul3A_352 = arith.constant 2 : i32
        %mul3A_353 = arith.muli %scan3A_329, %mul3A_352 : i32
        %add3A_354 = arith.constant 1 : i32
        %add3A_355 = arith.addi %mul3A_353, %add3A_354 : i32
        %broadcast_in_dim3A_356 = vector.broadcast %add3A_355 : i32 to vector<16xi32>
        %add3A_357 = arith.constant 32 : i32
        %add3A_358 = vector.broadcast %add3A_357 : i32 to vector<16xi32>
        %add3A_359 = arith.addi %iota3A, %add3A_358 : vector<16xi32>
        %gather3A_360 = tpu.vector_load_idx %arg18[%broadcast_in_dim3A_356, %add3A_359] masked %lt3A_13 : memref<128x36xf32, #tpu.memory_space<vmem>>[vector<16xi32>, vector<16xi32>], vector<16xf32>, vector<16xi1>
        %jit3A_361 = arith.constant 0.000000e+00 : f32
        %broadcast_in_dim3A_362 = vector.broadcast %jit3A_361 : f32 to vector<16xf32>
        %select_n3A_363 = arith.select %lt3A_13, %gather3A_360, %broadcast_in_dim3A_362 : vector<16xi1>, vector<16xf32>
        %get3A_364 = arith.index_cast %add3A_355 : i32 to index
        %get3A_365 = arith.constant 0 : index
        %get3A_366 = tpu.vector_load %arg18[%get3A_364, %get3A_365] {strides = array<i32>} : memref<128x36xf32, #tpu.memory_space<vmem>>, vector<16xf32>,
        %add3A_367 = arith.addf %add3A_346, %get3A_366 : vector<16xf32>
        %get3A_368 = arith.index_cast %add3A_355 : i32 to index
        %get3A_369 = arith.constant 16 : index
        %get3A_370 = tpu.vector_load %arg18[%get3A_368, %get3A_369] {strides = array<i32>} : memref<128x36xf32, #tpu.memory_space<vmem>>, vector<16xf32>,
        %add3A_371 = arith.addf %add3A_350, %get3A_370 : vector<16xf32>
        %add3A_372 = arith.addf %add3A_351, %select_n3A_363 : vector<16xf32>
        scf.yield %add3A_367, %add3A_371, %add3A_372 : vector<16xf32>, vector<16xf32>, vector<16xf32>
      }
      %scan3A_321 = arith.constant 64 : i32
      %add3A_322 = arith.constant 2 : i32
      %add3A_323 = arith.addi %add3A_309, %add3A_322 : i32
      %lt3A_324 = arith.constant 8 : i32
      %lt3A_325 = arith.cmpi slt, %add3A_323, %lt3A_324 : i32
      %convert_element_type3A_326 = arith.extui %lt3A_325 : i1 to i32
      %cond3A_327 = arith.constant 0 : i32
      %cond3A_328 = arith.cmpi ne, %convert_element_type3A_326, %cond3A_327 : i32
      scf.if %cond3A_328 {
        %add3A_329 = arith.constant 2 : i32
        %add3A_330 = arith.addi %add3A_309, %add3A_329 : i32
        %mul3A_331 = arith.constant 128 : i32
        %mul3A_332 = arith.muli %add3A_330, %mul3A_331 : i32
        %add3A_333 = arith.addi %mul3A_57, %mul3A_332 : i32
        %dma_start3A_334 = arith.constant 0 : i32
        %dma_start3A_335 = tpu.memref_slice %arg3[%add3A_333, %dma_start3A_334] : memref<16384x36xf32, #tpu.memory_space<hbm>> -> memref<128x36xf32, #tpu.memory_space<hbm>>
        %dma_start3A_336 = arith.constant 0 : i32
        %dma_start3A_337 = tpu.memref_slice %arg3[%add3A_333, %dma_start3A_336] : memref<16384x36xf32, #tpu.memory_space<hbm>> -> memref<128x36xf32, #tpu.memory_space<hbm>>
        tpu.enqueue_dma source(%dma_start3A_337 : memref<128x36xf32, #tpu.memory_space<hbm>>) target(%arg18 : memref<128x36xf32, #tpu.memory_space<vmem>>) target_semaphore(%arg20 : memref<!tpu.dma_semaphore, #tpu.memory_space<semaphore_mem>>)
      } else {
      }
      scf.yield %scan3A_320#0, %scan3A_320#1, %scan3A_320#2 : vector<16xf32>, vector<16xf32>, vector<16xf32>
    }
    %scan3A_74 = arith.constant 4 : i32
    %swap3A_75 = arith.constant 0 : index
    %swap3A_76 = tpu.vector_load %arg25[%swap3A_75] {strides = array<i32>} : memref<48xf32, #tpu.memory_space<vmem>>, vector<16xf32>,
    tpu.vector_store %arg25[%swap3A_75], %scan3A_73#0 {strides = array<i32>} : memref<48xf32, #tpu.memory_space<vmem>>, vector<16xf32>,
    %swap3A_77 = arith.constant 16 : index
    %swap3A_78 = tpu.vector_load %arg25[%swap3A_77] {strides = array<i32>} : memref<48xf32, #tpu.memory_space<vmem>>, vector<16xf32>,
    tpu.vector_store %arg25[%swap3A_77], %scan3A_73#1 {strides = array<i32>} : memref<48xf32, #tpu.memory_space<vmem>>, vector<16xf32>,
    %swap3A_79 = arith.constant 32 : index
    %swap3A_80 = tpu.vector_load %arg25[%swap3A_79] {strides = array<i32>} : memref<48xf32, #tpu.memory_space<vmem>>, vector<16xf32>,
    tpu.vector_store %arg25[%swap3A_79], %scan3A_73#2 {strides = array<i32>} : memref<48xf32, #tpu.memory_space<vmem>>, vector<16xf32>,
    %mul3A_81 = arith.constant 48 : i32
    %mul3A_82 = arith.muli %arg1, %mul3A_81 : i32
    "tpu.region"() ({
      %run_scoped3A = tpu.sem_alloc : memref<!tpu.dma_semaphore, #tpu.memory_space<semaphore_mem>>
      %dma_start3A_281 = tpu.memref_slice %arg27[%mul3A_82] : memref<768xf32, #tpu.memory_space<vmem_shared>> -> memref<48xf32, #tpu.memory_space<vmem_shared>>
      %dma_start3A_282 = tpu.memref_slice %arg27[%mul3A_82] : memref<768xf32, #tpu.memory_space<vmem_shared>> -> memref<48xf32, #tpu.memory_space<vmem_shared>>
      tpu.enqueue_dma source(%arg25 : memref<48xf32, #tpu.memory_space<vmem>>) target(%dma_start3A_282 : memref<48xf32, #tpu.memory_space<vmem_shared>>) target_semaphore(%run_scoped3A : memref<!tpu.dma_semaphore, #tpu.memory_space<semaphore_mem>>)
      %dma_wait3A_283 = tpu.memref_slice %arg27[%mul3A_82] : memref<768xf32, #tpu.memory_space<vmem_shared>> -> memref<48xf32, #tpu.memory_space<vmem_shared>>
      %dma_wait3A_284 = tpu.memref_slice %arg27[%mul3A_82] : memref<768xf32, #tpu.memory_space<vmem_shared>> -> memref<48xf32, #tpu.memory_space<vmem_shared>>
      tpu.wait_dma2 semaphore(%run_scoped3A : memref<!tpu.dma_semaphore, #tpu.memory_space<semaphore_mem>>) src(%arg25 : memref<48xf32, #tpu.memory_space<vmem>>) dst(%dma_wait3A_284 : memref<48xf32, #tpu.memory_space<vmem_shared>>)
      tpu.yield
    }) : () -> ()
    %barrier3A = arith.constant 0 : index
    tpu.barrier barrier_id(%barrier3A)
    "tpu.region"() ({
      %run_scoped3A = tpu.sem_alloc : memref<!tpu.dma_semaphore, #tpu.memory_space<semaphore_mem>>
      tpu.enqueue_dma source(%arg27 : memref<768xf32, #tpu.memory_space<vmem_shared>>) target(%arg26 : memref<768xf32, #tpu.memory_space<vmem>>) target_semaphore(%run_scoped3A : memref<!tpu.dma_semaphore, #tpu.memory_space<semaphore_mem>>)
      tpu.wait_dma2 semaphore(%run_scoped3A : memref<!tpu.dma_semaphore, #tpu.memory_space<semaphore_mem>>) src(%arg27 : memref<768xf32, #tpu.memory_space<vmem_shared>>) dst(%arg26 : memref<768xf32, #tpu.memory_space<vmem>>)
      tpu.yield
    }) : () -> ()
    %get3A = arith.constant 0 : index
    %get3A_83 = tpu.vector_load %arg26[%get3A] {strides = array<i32>} : memref<768xf32, #tpu.memory_space<vmem>>, vector<16xf32>,
    %add3A_84 = arith.addf %broadcast_in_dim3A_5, %get3A_83 : vector<16xf32>
    %get3A_85 = arith.constant 48 : index
    %get3A_86 = tpu.vector_load %arg26[%get3A_85] {strides = array<i32>} : memref<768xf32, #tpu.memory_space<vmem>>, vector<16xf32>,
    %add3A_87 = arith.addf %add3A_84, %get3A_86 : vector<16xf32>
    %get3A_88 = arith.constant 96 : index
    %get3A_89 = tpu.vector_load %arg26[%get3A_88] {strides = array<i32>} : memref<768xf32, #tpu.memory_space<vmem>>, vector<16xf32>,
    %add3A_90 = arith.addf %add3A_87, %get3A_89 : vector<16xf32>
    %get3A_91 = arith.constant 144 : index
    %get3A_92 = tpu.vector_load %arg26[%get3A_91] {strides = array<i32>} : memref<768xf32, #tpu.memory_space<vmem>>, vector<16xf32>,
    %add3A_93 = arith.addf %add3A_90, %get3A_92 : vector<16xf32>
    %get3A_94 = arith.constant 192 : index
    %get3A_95 = tpu.vector_load %arg26[%get3A_94] {strides = array<i32>} : memref<768xf32, #tpu.memory_space<vmem>>, vector<16xf32>,
    %add3A_96 = arith.addf %add3A_93, %get3A_95 : vector<16xf32>
    %get3A_97 = arith.constant 240 : index
    %get3A_98 = tpu.vector_load %arg26[%get3A_97] {strides = array<i32>} : memref<768xf32, #tpu.memory_space<vmem>>, vector<16xf32>,
    %add3A_99 = arith.addf %add3A_96, %get3A_98 : vector<16xf32>
    %get3A_100 = arith.constant 288 : index
    %get3A_101 = tpu.vector_load %arg26[%get3A_100] {strides = array<i32>} : memref<768xf32, #tpu.memory_space<vmem>>, vector<16xf32>,
    %add3A_102 = arith.addf %add3A_99, %get3A_101 : vector<16xf32>
    %get3A_103 = arith.constant 336 : index
    %get3A_104 = tpu.vector_load %arg26[%get3A_103] {strides = array<i32>} : memref<768xf32, #tpu.memory_space<vmem>>, vector<16xf32>,
    %add3A_105 = arith.addf %add3A_102, %get3A_104 : vector<16xf32>
    %get3A_106 = arith.constant 384 : index
    %get3A_107 = tpu.vector_load %arg26[%get3A_106] {strides = array<i32>} : memref<768xf32, #tpu.memory_space<vmem>>, vector<16xf32>,
    %add3A_108 = arith.addf %add3A_105, %get3A_107 : vector<16xf32>
    %get3A_109 = arith.constant 432 : index
    %get3A_110 = tpu.vector_load %arg26[%get3A_109] {strides = array<i32>} : memref<768xf32, #tpu.memory_space<vmem>>, vector<16xf32>,
    %add3A_111 = arith.addf %add3A_108, %get3A_110 : vector<16xf32>
    %get3A_112 = arith.constant 480 : index
    %get3A_113 = tpu.vector_load %arg26[%get3A_112] {strides = array<i32>} : memref<768xf32, #tpu.memory_space<vmem>>, vector<16xf32>,
    %add3A_114 = arith.addf %add3A_111, %get3A_113 : vector<16xf32>
    %get3A_115 = arith.constant 528 : index
    %get3A_116 = tpu.vector_load %arg26[%get3A_115] {strides = array<i32>} : memref<768xf32, #tpu.memory_space<vmem>>, vector<16xf32>,
    %add3A_117 = arith.addf %add3A_114, %get3A_116 : vector<16xf32>
    %get3A_118 = arith.constant 576 : index
    %get3A_119 = tpu.vector_load %arg26[%get3A_118] {strides = array<i32>} : memref<768xf32, #tpu.memory_space<vmem>>, vector<16xf32>,
    %add3A_120 = arith.addf %add3A_117, %get3A_119 : vector<16xf32>
    %get3A_121 = arith.constant 624 : index
    %get3A_122 = tpu.vector_load %arg26[%get3A_121] {strides = array<i32>} : memref<768xf32, #tpu.memory_space<vmem>>, vector<16xf32>,
    %add3A_123 = arith.addf %add3A_120, %get3A_122 : vector<16xf32>
    %get3A_124 = arith.constant 672 : index
    %get3A_125 = tpu.vector_load %arg26[%get3A_124] {strides = array<i32>} : memref<768xf32, #tpu.memory_space<vmem>>, vector<16xf32>,
    %add3A_126 = arith.addf %add3A_123, %get3A_125 : vector<16xf32>
    %get3A_127 = arith.constant 720 : index
    %get3A_128 = tpu.vector_load %arg26[%get3A_127] {strides = array<i32>} : memref<768xf32, #tpu.memory_space<vmem>>, vector<16xf32>,
    %add3A_129 = arith.addf %add3A_126, %get3A_128 : vector<16xf32>
    %mul3A_130 = arith.constant 1.2207031E-6 : f32
    %mul3A_131 = vector.broadcast %mul3A_130 : f32 to vector<16xf32>
    %mul3A_132 = arith.mulf %add3A_129, %mul3A_131 : vector<16xf32>
    %swap3A_133 = arith.constant 0 : index
    %swap3A_134 = tpu.vector_load %arg23[%swap3A_133] {strides = array<i32>} : memref<48xf32, #tpu.memory_space<vmem>>, vector<16xf32>,
    tpu.vector_store %arg23[%swap3A_133], %mul3A_132 {strides = array<i32>} : memref<48xf32, #tpu.memory_space<vmem>>, vector<16xf32>,
    %get3A_135 = arith.constant 16 : index
    %get3A_136 = tpu.vector_load %arg26[%get3A_135] {strides = array<i32>} : memref<768xf32, #tpu.memory_space<vmem>>, vector<16xf32>,
    %add3A_137 = arith.addf %broadcast_in_dim3A_5, %get3A_136 : vector<16xf32>
    %get3A_138 = arith.constant 64 : index
    %get3A_139 = tpu.vector_load %arg26[%get3A_138] {strides = array<i32>} : memref<768xf32, #tpu.memory_space<vmem>>, vector<16xf32>,
    %add3A_140 = arith.addf %add3A_137, %get3A_139 : vector<16xf32>
    %get3A_141 = arith.constant 112 : index
    %get3A_142 = tpu.vector_load %arg26[%get3A_141] {strides = array<i32>} : memref<768xf32, #tpu.memory_space<vmem>>, vector<16xf32>,
    %add3A_143 = arith.addf %add3A_140, %get3A_142 : vector<16xf32>
    %get3A_144 = arith.constant 160 : index
    %get3A_145 = tpu.vector_load %arg26[%get3A_144] {strides = array<i32>} : memref<768xf32, #tpu.memory_space<vmem>>, vector<16xf32>,
    %add3A_146 = arith.addf %add3A_143, %get3A_145 : vector<16xf32>
    %get3A_147 = arith.constant 208 : index
    %get3A_148 = tpu.vector_load %arg26[%get3A_147] {strides = array<i32>} : memref<768xf32, #tpu.memory_space<vmem>>, vector<16xf32>,
    %add3A_149 = arith.addf %add3A_146, %get3A_148 : vector<16xf32>
    %get3A_150 = arith.constant 256 : index
    %get3A_151 = tpu.vector_load %arg26[%get3A_150] {strides = array<i32>} : memref<768xf32, #tpu.memory_space<vmem>>, vector<16xf32>,
    %add3A_152 = arith.addf %add3A_149, %get3A_151 : vector<16xf32>
    %get3A_153 = arith.constant 304 : index
    %get3A_154 = tpu.vector_load %arg26[%get3A_153] {strides = array<i32>} : memref<768xf32, #tpu.memory_space<vmem>>, vector<16xf32>,
    %add3A_155 = arith.addf %add3A_152, %get3A_154 : vector<16xf32>
    %get3A_156 = arith.constant 352 : index
    %get3A_157 = tpu.vector_load %arg26[%get3A_156] {strides = array<i32>} : memref<768xf32, #tpu.memory_space<vmem>>, vector<16xf32>,
    %add3A_158 = arith.addf %add3A_155, %get3A_157 : vector<16xf32>
    %get3A_159 = arith.constant 400 : index
    %get3A_160 = tpu.vector_load %arg26[%get3A_159] {strides = array<i32>} : memref<768xf32, #tpu.memory_space<vmem>>, vector<16xf32>,
    %add3A_161 = arith.addf %add3A_158, %get3A_160 : vector<16xf32>
    %get3A_162 = arith.constant 448 : index
    %get3A_163 = tpu.vector_load %arg26[%get3A_162] {strides = array<i32>} : memref<768xf32, #tpu.memory_space<vmem>>, vector<16xf32>,
    %add3A_164 = arith.addf %add3A_161, %get3A_163 : vector<16xf32>
    %get3A_165 = arith.constant 496 : index
    %get3A_166 = tpu.vector_load %arg26[%get3A_165] {strides = array<i32>} : memref<768xf32, #tpu.memory_space<vmem>>, vector<16xf32>,
    %add3A_167 = arith.addf %add3A_164, %get3A_166 : vector<16xf32>
    %get3A_168 = arith.constant 544 : index
    %get3A_169 = tpu.vector_load %arg26[%get3A_168] {strides = array<i32>} : memref<768xf32, #tpu.memory_space<vmem>>, vector<16xf32>,
    %add3A_170 = arith.addf %add3A_167, %get3A_169 : vector<16xf32>
    %get3A_171 = arith.constant 592 : index
    %get3A_172 = tpu.vector_load %arg26[%get3A_171] {strides = array<i32>} : memref<768xf32, #tpu.memory_space<vmem>>, vector<16xf32>,
    %add3A_173 = arith.addf %add3A_170, %get3A_172 : vector<16xf32>
    %get3A_174 = arith.constant 640 : index
    %get3A_175 = tpu.vector_load %arg26[%get3A_174] {strides = array<i32>} : memref<768xf32, #tpu.memory_space<vmem>>, vector<16xf32>,
    %add3A_176 = arith.addf %add3A_173, %get3A_175 : vector<16xf32>
    %get3A_177 = arith.constant 688 : index
    %get3A_178 = tpu.vector_load %arg26[%get3A_177] {strides = array<i32>} : memref<768xf32, #tpu.memory_space<vmem>>, vector<16xf32>,
    %add3A_179 = arith.addf %add3A_176, %get3A_178 : vector<16xf32>
    %get3A_180 = arith.constant 736 : index
    %get3A_181 = tpu.vector_load %arg26[%get3A_180] {strides = array<i32>} : memref<768xf32, #tpu.memory_space<vmem>>, vector<16xf32>,
    %add3A_182 = arith.addf %add3A_179, %get3A_181 : vector<16xf32>
    %mul3A_183 = arith.constant 1.2207031E-6 : f32
    %mul3A_184 = vector.broadcast %mul3A_183 : f32 to vector<16xf32>
    %mul3A_185 = arith.mulf %add3A_182, %mul3A_184 : vector<16xf32>
    %swap3A_186 = arith.constant 16 : index
    %swap3A_187 = tpu.vector_load %arg23[%swap3A_186] {strides = array<i32>} : memref<48xf32, #tpu.memory_space<vmem>>, vector<16xf32>,
    tpu.vector_store %arg23[%swap3A_186], %mul3A_185 {strides = array<i32>} : memref<48xf32, #tpu.memory_space<vmem>>, vector<16xf32>,
    %get3A_188 = arith.constant 32 : index
    %get3A_189 = tpu.vector_load %arg26[%get3A_188] {strides = array<i32>} : memref<768xf32, #tpu.memory_space<vmem>>, vector<16xf32>,
    %add3A_190 = arith.addf %broadcast_in_dim3A_5, %get3A_189 : vector<16xf32>
    %get3A_191 = arith.constant 80 : index
    %get3A_192 = tpu.vector_load %arg26[%get3A_191] {strides = array<i32>} : memref<768xf32, #tpu.memory_space<vmem>>, vector<16xf32>,
    %add3A_193 = arith.addf %add3A_190, %get3A_192 : vector<16xf32>
    %get3A_194 = arith.constant 128 : index
    %get3A_195 = tpu.vector_load %arg26[%get3A_194] {strides = array<i32>} : memref<768xf32, #tpu.memory_space<vmem>>, vector<16xf32>,
    %add3A_196 = arith.addf %add3A_193, %get3A_195 : vector<16xf32>
    %get3A_197 = arith.constant 176 : index
    %get3A_198 = tpu.vector_load %arg26[%get3A_197] {strides = array<i32>} : memref<768xf32, #tpu.memory_space<vmem>>, vector<16xf32>,
    %add3A_199 = arith.addf %add3A_196, %get3A_198 : vector<16xf32>
    %get3A_200 = arith.constant 224 : index
    %get3A_201 = tpu.vector_load %arg26[%get3A_200] {strides = array<i32>} : memref<768xf32, #tpu.memory_space<vmem>>, vector<16xf32>,
    %add3A_202 = arith.addf %add3A_199, %get3A_201 : vector<16xf32>
    %get3A_203 = arith.constant 272 : index
    %get3A_204 = tpu.vector_load %arg26[%get3A_203] {strides = array<i32>} : memref<768xf32, #tpu.memory_space<vmem>>, vector<16xf32>,
    %add3A_205 = arith.addf %add3A_202, %get3A_204 : vector<16xf32>
    %get3A_206 = arith.constant 320 : index
    %get3A_207 = tpu.vector_load %arg26[%get3A_206] {strides = array<i32>} : memref<768xf32, #tpu.memory_space<vmem>>, vector<16xf32>,
    %add3A_208 = arith.addf %add3A_205, %get3A_207 : vector<16xf32>
    %get3A_209 = arith.constant 368 : index
    %get3A_210 = tpu.vector_load %arg26[%get3A_209] {strides = array<i32>} : memref<768xf32, #tpu.memory_space<vmem>>, vector<16xf32>,
    %add3A_211 = arith.addf %add3A_208, %get3A_210 : vector<16xf32>
    %get3A_212 = arith.constant 416 : index
    %get3A_213 = tpu.vector_load %arg26[%get3A_212] {strides = array<i32>} : memref<768xf32, #tpu.memory_space<vmem>>, vector<16xf32>,
    %add3A_214 = arith.addf %add3A_211, %get3A_213 : vector<16xf32>
    %get3A_215 = arith.constant 464 : index
    %get3A_216 = tpu.vector_load %arg26[%get3A_215] {strides = array<i32>} : memref<768xf32, #tpu.memory_space<vmem>>, vector<16xf32>,
    %add3A_217 = arith.addf %add3A_214, %get3A_216 : vector<16xf32>
    %get3A_218 = arith.constant 512 : index
    %get3A_219 = tpu.vector_load %arg26[%get3A_218] {strides = array<i32>} : memref<768xf32, #tpu.memory_space<vmem>>, vector<16xf32>,
    %add3A_220 = arith.addf %add3A_217, %get3A_219 : vector<16xf32>
    %get3A_221 = arith.constant 560 : index
    %get3A_222 = tpu.vector_load %arg26[%get3A_221] {strides = array<i32>} : memref<768xf32, #tpu.memory_space<vmem>>, vector<16xf32>,
    %add3A_223 = arith.addf %add3A_220, %get3A_222 : vector<16xf32>
    %get3A_224 = arith.constant 608 : index
    %get3A_225 = tpu.vector_load %arg26[%get3A_224] {strides = array<i32>} : memref<768xf32, #tpu.memory_space<vmem>>, vector<16xf32>,
    %add3A_226 = arith.addf %add3A_223, %get3A_225 : vector<16xf32>
    %get3A_227 = arith.constant 656 : index
    %get3A_228 = tpu.vector_load %arg26[%get3A_227] {strides = array<i32>} : memref<768xf32, #tpu.memory_space<vmem>>, vector<16xf32>,
    %add3A_229 = arith.addf %add3A_226, %get3A_228 : vector<16xf32>
    %get3A_230 = arith.constant 704 : index
    %get3A_231 = tpu.vector_load %arg26[%get3A_230] {strides = array<i32>} : memref<768xf32, #tpu.memory_space<vmem>>, vector<16xf32>,
    %add3A_232 = arith.addf %add3A_229, %get3A_231 : vector<16xf32>
    %get3A_233 = arith.constant 752 : index
    %get3A_234 = tpu.vector_load %arg26[%get3A_233] {strides = array<i32>} : memref<768xf32, #tpu.memory_space<vmem>>, vector<16xf32>,
    %add3A_235 = arith.addf %add3A_232, %get3A_234 : vector<16xf32>
    %mul3A_236 = arith.constant 1.2207031E-6 : f32
    %mul3A_237 = vector.broadcast %mul3A_236 : f32 to vector<16xf32>
    %mul3A_238 = arith.mulf %add3A_235, %mul3A_237 : vector<16xf32>
    %swap3A_239 = arith.constant 32 : index
    %swap3A_240 = tpu.vector_load %arg23[%swap3A_239] {strides = array<i32>} : memref<48xf32, #tpu.memory_space<vmem>>, vector<16xf32>,
    tpu.vector_store %arg23[%swap3A_239], %mul3A_238 {strides = array<i32>} : memref<48xf32, #tpu.memory_space<vmem>>, vector<16xf32>,
    %get3A_241 = arith.constant 0 : index
    %get3A_242 = tpu.vector_load %arg22[%get3A_241] {strides = array<i32>} : memref<48xi32, #tpu.memory_space<vmem>>, vector<16xi32>,
    %get3A_243 = arith.constant 16 : index
    %get3A_244 = tpu.vector_load %arg22[%get3A_243] {strides = array<i32>} : memref<48xi32, #tpu.memory_space<vmem>>, vector<16xi32>,
    %get3A_245 = arith.constant 32 : index
    %get3A_246 = tpu.vector_load %arg22[%get3A_245] {strides = array<i32>} : memref<48xi32, #tpu.memory_space<vmem>>, vector<16xi32>,
    %get3A_247 = arith.constant 0 : index
    %get3A_248 = tpu.vector_load %arg21[%get3A_247] {strides = array<i32>} : memref<48xi32, #tpu.memory_space<vmem>>, vector<16xi32>,
    %get3A_249 = arith.constant 16 : index
    %get3A_250 = tpu.vector_load %arg21[%get3A_249] {strides = array<i32>} : memref<48xi32, #tpu.memory_space<vmem>>, vector<16xi32>,
    %get3A_251 = arith.constant 32 : index
    %get3A_252 = tpu.vector_load %arg21[%get3A_251] {strides = array<i32>} : memref<48xi32, #tpu.memory_space<vmem>>, vector<16xi32>,
    %gather3A_253 = tpu.vector_load_idx %arg21[%get3A_242] : memref<48xi32, #tpu.memory_space<vmem>>[vector<16xi32>], vector<16xi32>,
    %gather3A_254 = tpu.vector_load_idx %arg21[%get3A_244] : memref<48xi32, #tpu.memory_space<vmem>>[vector<16xi32>], vector<16xi32>,
    %gather3A_255 = tpu.vector_load_idx %arg21[%get3A_246] : memref<48xi32, #tpu.memory_space<vmem>>[vector<16xi32>], vector<16xi32>,
    %gather3A_256 = tpu.vector_load_idx %arg23[%get3A_242] : memref<48xf32, #tpu.memory_space<vmem>>[vector<16xi32>], vector<16xf32>,
    %mul3A_257 = arith.mulf %div3A_33, %gather3A_256 : vector<16xf32>
    %gather3A_258 = tpu.vector_load_idx %arg23[%get3A_244] : memref<48xf32, #tpu.memory_space<vmem>>[vector<16xi32>], vector<16xf32>,
    %mul3A_259 = arith.mulf %div3A_33, %gather3A_258 : vector<16xf32>
    %gather3A_260 = tpu.vector_load_idx %arg23[%get3A_246] : memref<48xf32, #tpu.memory_space<vmem>>[vector<16xi32>], vector<16xf32>,
    %mul3A_261 = arith.mulf %div3A_33, %gather3A_260 : vector<16xf32>
    %scan3A_262 = arith.constant 0 : i32
    %scan3A_263 = arith.constant 0 : i32
    %scan3A_264 = arith.constant 16 : i32
    %scan3A_265 = arith.addi %scan3A_263, %scan3A_264 : i32
    %scan3A_266 = arith.constant 1 : i32
    scf.for %scan3A_281 = %scan3A_263 to %scan3A_265 step %scan3A_266  : i32 {
      %mul3A_282 = arith.constant 4 : i32
      %mul3A_283 = arith.muli %scan3A_281, %mul3A_282 : i32
      %add3A_284 = arith.constant 0 : i32
      %add3A_285 = arith.addi %mul3A_283, %add3A_284 : i32
      %dma_wait3A_286 = arith.constant 0 : i32
      %dma_wait3A_287 = arith.constant 0 : i32
      %dma_wait3A_288 = tpu.memref_slice %arg2[%dma_wait3A_286, %dma_wait3A_287] : memref<16384x2048xf32, #tpu.memory_space<hbm>> -> memref<8x2048xf32, #tpu.memory_space<hbm>>
      %dma_wait3A_289 = arith.constant 0 : i32
      %dma_wait3A_290 = arith.constant 0 : i32
      %dma_wait3A_291 = tpu.memref_slice %arg2[%dma_wait3A_289, %dma_wait3A_290] : memref<16384x2048xf32, #tpu.memory_space<hbm>> -> memref<8x2048xf32, #tpu.memory_space<hbm>>
      tpu.wait_dma2 semaphore(%arg28 : memref<!tpu.dma_semaphore, #tpu.memory_space<semaphore_mem>>) src(%dma_wait3A_291 : memref<8x2048xf32, #tpu.memory_space<hbm>>) dst(%arg9 : memref<8x2048xf32, #tpu.memory_space<vmem>>)
      %dma_wait3A_292 = arith.constant 0 : i32
      %dma_wait3A_293 = arith.constant 0 : i32
      %dma_wait3A_294 = tpu.memref_slice %arg3[%dma_wait3A_292, %dma_wait3A_293] : memref<16384x36xf32, #tpu.memory_space<hbm>> -> memref<8x36xf32, #tpu.memory_space<hbm>>
      %dma_wait3A_295 = arith.constant 0 : i32
      %dma_wait3A_296 = arith.constant 0 : i32
      %dma_wait3A_297 = tpu.memref_slice %arg3[%dma_wait3A_295, %dma_wait3A_296] : memref<16384x36xf32, #tpu.memory_space<hbm>> -> memref<8x36xf32, #tpu.memory_space<hbm>>
      tpu.wait_dma2 semaphore(%arg32 : memref<!tpu.dma_semaphore, #tpu.memory_space<semaphore_mem>>) src(%dma_wait3A_297 : memref<8x36xf32, #tpu.memory_space<hbm>>) dst(%arg13 : memref<8x36xf32, #tpu.memory_space<vmem>>)
      %scan3A_298 = arith.constant 0 : i32
      %scan3A_299 = arith.constant 0 : i32
      %scan3A_300 = arith.constant 8 : i32
      %scan3A_301 = arith.addi %scan3A_299, %scan3A_300 : i32
      %scan3A_302 = arith.constant 1 : i32
      scf.for %scan3A_445 = %scan3A_299 to %scan3A_301 step %scan3A_302  : i32 {
        %broadcast_in_dim3A_446 = vector.broadcast %scan3A_445 : i32 to vector<16xi32>
        %gather3A_447 = tpu.vector_load_idx %arg9[%broadcast_in_dim3A_446, %gather3A_253] masked %lt3A_7 : memref<8x2048xf32, #tpu.memory_space<vmem>>[vector<16xi32>, vector<16xi32>], vector<16xf32>, vector<16xi1>
        %gather3A_448 = tpu.vector_load_idx %arg13[%broadcast_in_dim3A_446, %get3A_242] masked %lt3A_7 : memref<8x36xf32, #tpu.memory_space<vmem>>[vector<16xi32>, vector<16xi32>], vector<16xf32>, vector<16xi1>
        %mul3A_449 = arith.mulf %mul3A_36, %gather3A_448 : vector<16xf32>
        %add3A_450 = arith.addf %gather3A_447, %mul3A_449 : vector<16xf32>
        %sub3A = arith.subf %add3A_450, %mul3A_257 : vector<16xf32>
        %gather3A_451 = tpu.vector_load_idx %arg9[%broadcast_in_dim3A_446, %gather3A_254] masked %lt3A_10 : memref<8x2048xf32, #tpu.memory_space<vmem>>[vector<16xi32>, vector<16xi32>], vector<16xf32>, vector<16xi1>
        %gather3A_452 = tpu.vector_load_idx %arg13[%broadcast_in_dim3A_446, %get3A_244] masked %lt3A_10 : memref<8x36xf32, #tpu.memory_space<vmem>>[vector<16xi32>, vector<16xi32>], vector<16xf32>, vector<16xi1>
        %mul3A_453 = arith.mulf %mul3A_36, %gather3A_452 : vector<16xf32>
        %add3A_454 = arith.addf %gather3A_451, %mul3A_453 : vector<16xf32>
        %sub3A_455 = arith.subf %add3A_454, %mul3A_259 : vector<16xf32>
        %gather3A_456 = tpu.vector_load_idx %arg9[%broadcast_in_dim3A_446, %gather3A_255] masked %lt3A_13 : memref<8x2048xf32, #tpu.memory_space<vmem>>[vector<16xi32>, vector<16xi32>], vector<16xf32>, vector<16xi1>
        %gather3A_457 = tpu.vector_load_idx %arg13[%broadcast_in_dim3A_446, %get3A_246] masked %lt3A_13 : memref<8x36xf32, #tpu.memory_space<vmem>>[vector<16xi32>, vector<16xi32>], vector<16xf32>, vector<16xi1>
        %mul3A_458 = arith.mulf %mul3A_36, %gather3A_457 : vector<16xf32>
        %add3A_459 = arith.addf %gather3A_456, %mul3A_458 : vector<16xf32>
        %sub3A_460 = arith.subf %add3A_459, %mul3A_261 : vector<16xf32>
        tpu.vector_store_idx %arg9[%broadcast_in_dim3A_446, %get3A_248], %sub3A masked %lt3A_7 : memref<8x2048xf32, #tpu.memory_space<vmem>>[vector<16xi32>, vector<16xi32>], vector<16xf32>, vector<16xi1>
        tpu.vector_store_idx %arg9[%broadcast_in_dim3A_446, %get3A_250], %sub3A_455 masked %lt3A_10 : memref<8x2048xf32, #tpu.memory_space<vmem>>[vector<16xi32>, vector<16xi32>], vector<16xf32>, vector<16xi1>
        tpu.vector_store_idx %arg9[%broadcast_in_dim3A_446, %get3A_252], %sub3A_460 masked %lt3A_13 : memref<8x2048xf32, #tpu.memory_space<vmem>>[vector<16xi32>, vector<16xi32>], vector<16xf32>, vector<16xi1>
      }
      %scan3A_303 = arith.constant 8 : i32
      %mul3A_304 = arith.constant 8 : i32
      %mul3A_305 = arith.muli %add3A_285, %mul3A_304 : i32
      %add3A_306 = arith.addi %mul3A_2, %mul3A_305 : i32
      %dma_start3A_307 = arith.constant 0 : i32
      %dma_start3A_308 = tpu.memref_slice %arg7[%add3A_306, %dma_start3A_307] : memref<16384x2048xf32, #tpu.memory_space<hbm>> -> memref<8x2048xf32, #tpu.memory_space<hbm>>
      %dma_start3A_309 = arith.constant 0 : i32
      %dma_start3A_310 = tpu.memref_slice %arg7[%add3A_306, %dma_start3A_309] : memref<16384x2048xf32, #tpu.memory_space<hbm>> -> memref<8x2048xf32, #tpu.memory_space<hbm>>
      tpu.enqueue_dma source(%arg9 : memref<8x2048xf32, #tpu.memory_space<vmem>>) target(%dma_start3A_310 : memref<8x2048xf32, #tpu.memory_space<hbm>>) target_semaphore(%arg36 : memref<!tpu.dma_semaphore, #tpu.memory_space<semaphore_mem>>)
      %ge3A = arith.constant 2 : i32
      %ge3A_311 = arith.cmpi sge, %add3A_285, %ge3A : i32
      %convert_element_type3A_312 = arith.extui %ge3A_311 : i1 to i32
      %cond3A_313 = arith.constant 0 : i32
      %cond3A_314 = arith.cmpi ne, %convert_element_type3A_312, %cond3A_313 : i32
      scf.if %cond3A_314 {
        %dma_wait3A_445 = arith.constant 0 : i32
        %dma_wait3A_446 = arith.constant 0 : i32
        %dma_wait3A_447 = tpu.memref_slice %arg7[%dma_wait3A_445, %dma_wait3A_446] : memref<16384x2048xf32, #tpu.memory_space<hbm>> -> memref<8x2048xf32, #tpu.memory_space<hbm>>
        %dma_wait3A_448 = arith.constant 0 : i32
        %dma_wait3A_449 = arith.constant 0 : i32
        %dma_wait3A_450 = tpu.memref_slice %arg7[%dma_wait3A_448, %dma_wait3A_449] : memref<16384x2048xf32, #tpu.memory_space<hbm>> -> memref<8x2048xf32, #tpu.memory_space<hbm>>
        tpu.wait_dma2 semaphore(%arg38 : memref<!tpu.dma_semaphore, #tpu.memory_space<semaphore_mem>>) src(%arg11 : memref<8x2048xf32, #tpu.memory_space<vmem>>) dst(%dma_wait3A_450 : memref<8x2048xf32, #tpu.memory_space<hbm>>)
      } else {
      }
      %add3A_315 = arith.constant 2 : i32
      %add3A_316 = arith.addi %add3A_285, %add3A_315 : i32
      %lt3A_317 = arith.constant 64 : i32
      %lt3A_318 = arith.cmpi slt, %add3A_316, %lt3A_317 : i32
      %convert_element_type3A_319 = arith.extui %lt3A_318 : i1 to i32
      %cond3A_320 = arith.constant 0 : i32
      %cond3A_321 = arith.cmpi ne, %convert_element_type3A_319, %cond3A_320 : i32
      scf.if %cond3A_321 {
        %add3A_445 = arith.constant 2 : i32
        %add3A_446 = arith.addi %add3A_285, %add3A_445 : i32
        %mul3A_447 = arith.constant 8 : i32
        %mul3A_448 = arith.muli %add3A_446, %mul3A_447 : i32
        %add3A_449 = arith.addi %mul3A_2, %mul3A_448 : i32
        %dma_start3A_450 = arith.constant 0 : i32
        %dma_start3A_451 = tpu.memref_slice %arg2[%add3A_449, %dma_start3A_450] : memref<16384x2048xf32, #tpu.memory_space<hbm>> -> memref<8x2048xf32, #tpu.memory_space<hbm>>
        %dma_start3A_452 = arith.constant 0 : i32
        %dma_start3A_453 = tpu.memref_slice %arg2[%add3A_449, %dma_start3A_452] : memref<16384x2048xf32, #tpu.memory_space<hbm>> -> memref<8x2048xf32, #tpu.memory_space<hbm>>
        tpu.enqueue_dma source(%dma_start3A_453 : memref<8x2048xf32, #tpu.memory_space<hbm>>) target(%arg11 : memref<8x2048xf32, #tpu.memory_space<vmem>>) target_semaphore(%arg30 : memref<!tpu.dma_semaphore, #tpu.memory_space<semaphore_mem>>)
        %dma_start3A_454 = arith.constant 0 : i32
        %dma_start3A_455 = tpu.memref_slice %arg3[%add3A_449, %dma_start3A_454] : memref<16384x36xf32, #tpu.memory_space<hbm>> -> memref<8x36xf32, #tpu.memory_space<hbm>>
        %dma_start3A_456 = arith.constant 0 : i32
        %dma_start3A_457 = tpu.memref_slice %arg3[%add3A_449, %dma_start3A_456] : memref<16384x36xf32, #tpu.memory_space<hbm>> -> memref<8x36xf32, #tpu.memory_space<hbm>>
        tpu.enqueue_dma source(%dma_start3A_457 : memref<8x36xf32, #tpu.memory_space<hbm>>) target(%arg15 : memref<8x36xf32, #tpu.memory_space<vmem>>) target_semaphore(%arg34 : memref<!tpu.dma_semaphore, #tpu.memory_space<semaphore_mem>>)
      } else {
      }
      %mul3A_322 = arith.constant 4 : i32
      %mul3A_323 = arith.muli %scan3A_281, %mul3A_322 : i32
      %add3A_324 = arith.constant 1 : i32
      %add3A_325 = arith.addi %mul3A_323, %add3A_324 : i32
      %dma_wait3A_326 = arith.constant 0 : i32
      %dma_wait3A_327 = arith.constant 0 : i32
      %dma_wait3A_328 = tpu.memref_slice %arg2[%dma_wait3A_326, %dma_wait3A_327] : memref<16384x2048xf32, #tpu.memory_space<hbm>> -> memref<8x2048xf32, #tpu.memory_space<hbm>>
      %dma_wait3A_329 = arith.constant 0 : i32
      %dma_wait3A_330 = arith.constant 0 : i32
      %dma_wait3A_331 = tpu.memref_slice %arg2[%dma_wait3A_329, %dma_wait3A_330] : memref<16384x2048xf32, #tpu.memory_space<hbm>> -> memref<8x2048xf32, #tpu.memory_space<hbm>>
      tpu.wait_dma2 semaphore(%arg29 : memref<!tpu.dma_semaphore, #tpu.memory_space<semaphore_mem>>) src(%dma_wait3A_331 : memref<8x2048xf32, #tpu.memory_space<hbm>>) dst(%arg10 : memref<8x2048xf32, #tpu.memory_space<vmem>>)
      %dma_wait3A_332 = arith.constant 0 : i32
      %dma_wait3A_333 = arith.constant 0 : i32
      %dma_wait3A_334 = tpu.memref_slice %arg3[%dma_wait3A_332, %dma_wait3A_333] : memref<16384x36xf32, #tpu.memory_space<hbm>> -> memref<8x36xf32, #tpu.memory_space<hbm>>
      %dma_wait3A_335 = arith.constant 0 : i32
      %dma_wait3A_336 = arith.constant 0 : i32
      %dma_wait3A_337 = tpu.memref_slice %arg3[%dma_wait3A_335, %dma_wait3A_336] : memref<16384x36xf32, #tpu.memory_space<hbm>> -> memref<8x36xf32, #tpu.memory_space<hbm>>
      tpu.wait_dma2 semaphore(%arg33 : memref<!tpu.dma_semaphore, #tpu.memory_space<semaphore_mem>>) src(%dma_wait3A_337 : memref<8x36xf32, #tpu.memory_space<hbm>>) dst(%arg14 : memref<8x36xf32, #tpu.memory_space<vmem>>)
      %scan3A_338 = arith.constant 0 : i32
      %scan3A_339 = arith.constant 0 : i32
      %scan3A_340 = arith.constant 8 : i32
      %scan3A_341 = arith.addi %scan3A_339, %scan3A_340 : i32
      %scan3A_342 = arith.constant 1 : i32
      scf.for %scan3A_445 = %scan3A_339 to %scan3A_341 step %scan3A_342  : i32 {
        %broadcast_in_dim3A_446 = vector.broadcast %scan3A_445 : i32 to vector<16xi32>
        %gather3A_447 = tpu.vector_load_idx %arg10[%broadcast_in_dim3A_446, %gather3A_253] masked %lt3A_7 : memref<8x2048xf32, #tpu.memory_space<vmem>>[vector<16xi32>, vector<16xi32>], vector<16xf32>, vector<16xi1>
        %gather3A_448 = tpu.vector_load_idx %arg14[%broadcast_in_dim3A_446, %get3A_242] masked %lt3A_7 : memref<8x36xf32, #tpu.memory_space<vmem>>[vector<16xi32>, vector<16xi32>], vector<16xf32>, vector<16xi1>
        %mul3A_449 = arith.mulf %mul3A_36, %gather3A_448 : vector<16xf32>
        %add3A_450 = arith.addf %gather3A_447, %mul3A_449 : vector<16xf32>
        %sub3A = arith.subf %add3A_450, %mul3A_257 : vector<16xf32>
        %gather3A_451 = tpu.vector_load_idx %arg10[%broadcast_in_dim3A_446, %gather3A_254] masked %lt3A_10 : memref<8x2048xf32, #tpu.memory_space<vmem>>[vector<16xi32>, vector<16xi32>], vector<16xf32>, vector<16xi1>
        %gather3A_452 = tpu.vector_load_idx %arg14[%broadcast_in_dim3A_446, %get3A_244] masked %lt3A_10 : memref<8x36xf32, #tpu.memory_space<vmem>>[vector<16xi32>, vector<16xi32>], vector<16xf32>, vector<16xi1>
        %mul3A_453 = arith.mulf %mul3A_36, %gather3A_452 : vector<16xf32>
        %add3A_454 = arith.addf %gather3A_451, %mul3A_453 : vector<16xf32>
        %sub3A_455 = arith.subf %add3A_454, %mul3A_259 : vector<16xf32>
        %gather3A_456 = tpu.vector_load_idx %arg10[%broadcast_in_dim3A_446, %gather3A_255] masked %lt3A_13 : memref<8x2048xf32, #tpu.memory_space<vmem>>[vector<16xi32>, vector<16xi32>], vector<16xf32>, vector<16xi1>
        %gather3A_457 = tpu.vector_load_idx %arg14[%broadcast_in_dim3A_446, %get3A_246] masked %lt3A_13 : memref<8x36xf32, #tpu.memory_space<vmem>>[vector<16xi32>, vector<16xi32>], vector<16xf32>, vector<16xi1>
        %mul3A_458 = arith.mulf %mul3A_36, %gather3A_457 : vector<16xf32>
        %add3A_459 = arith.addf %gather3A_456, %mul3A_458 : vector<16xf32>
        %sub3A_460 = arith.subf %add3A_459, %mul3A_261 : vector<16xf32>
        tpu.vector_store_idx %arg10[%broadcast_in_dim3A_446, %get3A_248], %sub3A masked %lt3A_7 : memref<8x2048xf32, #tpu.memory_space<vmem>>[vector<16xi32>, vector<16xi32>], vector<16xf32>, vector<16xi1>
        tpu.vector_store_idx %arg10[%broadcast_in_dim3A_446, %get3A_250], %sub3A_455 masked %lt3A_10 : memref<8x2048xf32, #tpu.memory_space<vmem>>[vector<16xi32>, vector<16xi32>], vector<16xf32>, vector<16xi1>
        tpu.vector_store_idx %arg10[%broadcast_in_dim3A_446, %get3A_252], %sub3A_460 masked %lt3A_13 : memref<8x2048xf32, #tpu.memory_space<vmem>>[vector<16xi32>, vector<16xi32>], vector<16xf32>, vector<16xi1>
      }
      %scan3A_343 = arith.constant 8 : i32
      %mul3A_344 = arith.constant 8 : i32
      %mul3A_345 = arith.muli %add3A_325, %mul3A_344 : i32
      %add3A_346 = arith.addi %mul3A_2, %mul3A_345 : i32
      %dma_start3A_347 = arith.constant 0 : i32
      %dma_start3A_348 = tpu.memref_slice %arg7[%add3A_346, %dma_start3A_347] : memref<16384x2048xf32, #tpu.memory_space<hbm>> -> memref<8x2048xf32, #tpu.memory_space<hbm>>
      %dma_start3A_349 = arith.constant 0 : i32
      %dma_start3A_350 = tpu.memref_slice %arg7[%add3A_346, %dma_start3A_349] : memref<16384x2048xf32, #tpu.memory_space<hbm>> -> memref<8x2048xf32, #tpu.memory_space<hbm>>
      tpu.enqueue_dma source(%arg10 : memref<8x2048xf32, #tpu.memory_space<vmem>>) target(%dma_start3A_350 : memref<8x2048xf32, #tpu.memory_space<hbm>>) target_semaphore(%arg37 : memref<!tpu.dma_semaphore, #tpu.memory_space<semaphore_mem>>)
      %ge3A_351 = arith.constant 2 : i32
      %ge3A_352 = arith.cmpi sge, %add3A_325, %ge3A_351 : i32
      %convert_element_type3A_353 = arith.extui %ge3A_352 : i1 to i32
      %cond3A_354 = arith.constant 0 : i32
      %cond3A_355 = arith.cmpi ne, %convert_element_type3A_353, %cond3A_354 : i32
      scf.if %cond3A_355 {
        %dma_wait3A_445 = arith.constant 0 : i32
        %dma_wait3A_446 = arith.constant 0 : i32
        %dma_wait3A_447 = tpu.memref_slice %arg7[%dma_wait3A_445, %dma_wait3A_446] : memref<16384x2048xf32, #tpu.memory_space<hbm>> -> memref<8x2048xf32, #tpu.memory_space<hbm>>
        %dma_wait3A_448 = arith.constant 0 : i32
        %dma_wait3A_449 = arith.constant 0 : i32
        %dma_wait3A_450 = tpu.memref_slice %arg7[%dma_wait3A_448, %dma_wait3A_449] : memref<16384x2048xf32, #tpu.memory_space<hbm>> -> memref<8x2048xf32, #tpu.memory_space<hbm>>
        tpu.wait_dma2 semaphore(%arg39 : memref<!tpu.dma_semaphore, #tpu.memory_space<semaphore_mem>>) src(%arg12 : memref<8x2048xf32, #tpu.memory_space<vmem>>) dst(%dma_wait3A_450 : memref<8x2048xf32, #tpu.memory_space<hbm>>)
      } else {
      }
      %add3A_356 = arith.constant 2 : i32
      %add3A_357 = arith.addi %add3A_325, %add3A_356 : i32
      %lt3A_358 = arith.constant 64 : i32
      %lt3A_359 = arith.cmpi slt, %add3A_357, %lt3A_358 : i32
      %convert_element_type3A_360 = arith.extui %lt3A_359 : i1 to i32
      %cond3A_361 = arith.constant 0 : i32
      %cond3A_362 = arith.cmpi ne, %convert_element_type3A_360, %cond3A_361 : i32
      scf.if %cond3A_362 {
        %add3A_445 = arith.constant 2 : i32
        %add3A_446 = arith.addi %add3A_325, %add3A_445 : i32
        %mul3A_447 = arith.constant 8 : i32
        %mul3A_448 = arith.muli %add3A_446, %mul3A_447 : i32
        %add3A_449 = arith.addi %mul3A_2, %mul3A_448 : i32
        %dma_start3A_450 = arith.constant 0 : i32
        %dma_start3A_451 = tpu.memref_slice %arg2[%add3A_449, %dma_start3A_450] : memref<16384x2048xf32, #tpu.memory_space<hbm>> -> memref<8x2048xf32, #tpu.memory_space<hbm>>
        %dma_start3A_452 = arith.constant 0 : i32
        %dma_start3A_453 = tpu.memref_slice %arg2[%add3A_449, %dma_start3A_452] : memref<16384x2048xf32, #tpu.memory_space<hbm>> -> memref<8x2048xf32, #tpu.memory_space<hbm>>
        tpu.enqueue_dma source(%dma_start3A_453 : memref<8x2048xf32, #tpu.memory_space<hbm>>) target(%arg12 : memref<8x2048xf32, #tpu.memory_space<vmem>>) target_semaphore(%arg31 : memref<!tpu.dma_semaphore, #tpu.memory_space<semaphore_mem>>)
        %dma_start3A_454 = arith.constant 0 : i32
        %dma_start3A_455 = tpu.memref_slice %arg3[%add3A_449, %dma_start3A_454] : memref<16384x36xf32, #tpu.memory_space<hbm>> -> memref<8x36xf32, #tpu.memory_space<hbm>>
        %dma_start3A_456 = arith.constant 0 : i32
        %dma_start3A_457 = tpu.memref_slice %arg3[%add3A_449, %dma_start3A_456] : memref<16384x36xf32, #tpu.memory_space<hbm>> -> memref<8x36xf32, #tpu.memory_space<hbm>>
        tpu.enqueue_dma source(%dma_start3A_457 : memref<8x36xf32, #tpu.memory_space<hbm>>) target(%arg16 : memref<8x36xf32, #tpu.memory_space<vmem>>) target_semaphore(%arg35 : memref<!tpu.dma_semaphore, #tpu.memory_space<semaphore_mem>>)
      } else {
      }
      %mul3A_363 = arith.constant 4 : i32
      %mul3A_364 = arith.muli %scan3A_281, %mul3A_363 : i32
      %add3A_365 = arith.constant 2 : i32
      %add3A_366 = arith.addi %mul3A_364, %add3A_365 : i32
      %dma_wait3A_367 = arith.constant 0 : i32
      %dma_wait3A_368 = arith.constant 0 : i32
      %dma_wait3A_369 = tpu.memref_slice %arg2[%dma_wait3A_367, %dma_wait3A_368] : memref<16384x2048xf32, #tpu.memory_space<hbm>> -> memref<8x2048xf32, #tpu.memory_space<hbm>>
      %dma_wait3A_370 = arith.constant 0 : i32
      %dma_wait3A_371 = arith.constant 0 : i32
      %dma_wait3A_372 = tpu.memref_slice %arg2[%dma_wait3A_370, %dma_wait3A_371] : memref<16384x2048xf32, #tpu.memory_space<hbm>> -> memref<8x2048xf32, #tpu.memory_space<hbm>>
      tpu.wait_dma2 semaphore(%arg30 : memref<!tpu.dma_semaphore, #tpu.memory_space<semaphore_mem>>) src(%dma_wait3A_372 : memref<8x2048xf32, #tpu.memory_space<hbm>>) dst(%arg11 : memref<8x2048xf32, #tpu.memory_space<vmem>>)
      %dma_wait3A_373 = arith.constant 0 : i32
      %dma_wait3A_374 = arith.constant 0 : i32
      %dma_wait3A_375 = tpu.memref_slice %arg3[%dma_wait3A_373, %dma_wait3A_374] : memref<16384x36xf32, #tpu.memory_space<hbm>> -> memref<8x36xf32, #tpu.memory_space<hbm>>
      %dma_wait3A_376 = arith.constant 0 : i32
      %dma_wait3A_377 = arith.constant 0 : i32
      %dma_wait3A_378 = tpu.memref_slice %arg3[%dma_wait3A_376, %dma_wait3A_377] : memref<16384x36xf32, #tpu.memory_space<hbm>> -> memref<8x36xf32, #tpu.memory_space<hbm>>
      tpu.wait_dma2 semaphore(%arg34 : memref<!tpu.dma_semaphore, #tpu.memory_space<semaphore_mem>>) src(%dma_wait3A_378 : memref<8x36xf32, #tpu.memory_space<hbm>>) dst(%arg15 : memref<8x36xf32, #tpu.memory_space<vmem>>)
      %scan3A_379 = arith.constant 0 : i32
      %scan3A_380 = arith.constant 0 : i32
      %scan3A_381 = arith.constant 8 : i32
      %scan3A_382 = arith.addi %scan3A_380, %scan3A_381 : i32
      %scan3A_383 = arith.constant 1 : i32
      scf.for %scan3A_445 = %scan3A_380 to %scan3A_382 step %scan3A_383  : i32 {
        %broadcast_in_dim3A_446 = vector.broadcast %scan3A_445 : i32 to vector<16xi32>
        %gather3A_447 = tpu.vector_load_idx %arg11[%broadcast_in_dim3A_446, %gather3A_253] masked %lt3A_7 : memref<8x2048xf32, #tpu.memory_space<vmem>>[vector<16xi32>, vector<16xi32>], vector<16xf32>, vector<16xi1>
        %gather3A_448 = tpu.vector_load_idx %arg15[%broadcast_in_dim3A_446, %get3A_242] masked %lt3A_7 : memref<8x36xf32, #tpu.memory_space<vmem>>[vector<16xi32>, vector<16xi32>], vector<16xf32>, vector<16xi1>
        %mul3A_449 = arith.mulf %mul3A_36, %gather3A_448 : vector<16xf32>
        %add3A_450 = arith.addf %gather3A_447, %mul3A_449 : vector<16xf32>
        %sub3A = arith.subf %add3A_450, %mul3A_257 : vector<16xf32>
        %gather3A_451 = tpu.vector_load_idx %arg11[%broadcast_in_dim3A_446, %gather3A_254] masked %lt3A_10 : memref<8x2048xf32, #tpu.memory_space<vmem>>[vector<16xi32>, vector<16xi32>], vector<16xf32>, vector<16xi1>
        %gather3A_452 = tpu.vector_load_idx %arg15[%broadcast_in_dim3A_446, %get3A_244] masked %lt3A_10 : memref<8x36xf32, #tpu.memory_space<vmem>>[vector<16xi32>, vector<16xi32>], vector<16xf32>, vector<16xi1>
        %mul3A_453 = arith.mulf %mul3A_36, %gather3A_452 : vector<16xf32>
        %add3A_454 = arith.addf %gather3A_451, %mul3A_453 : vector<16xf32>
        %sub3A_455 = arith.subf %add3A_454, %mul3A_259 : vector<16xf32>
        %gather3A_456 = tpu.vector_load_idx %arg11[%broadcast_in_dim3A_446, %gather3A_255] masked %lt3A_13 : memref<8x2048xf32, #tpu.memory_space<vmem>>[vector<16xi32>, vector<16xi32>], vector<16xf32>, vector<16xi1>
        %gather3A_457 = tpu.vector_load_idx %arg15[%broadcast_in_dim3A_446, %get3A_246] masked %lt3A_13 : memref<8x36xf32, #tpu.memory_space<vmem>>[vector<16xi32>, vector<16xi32>], vector<16xf32>, vector<16xi1>
        %mul3A_458 = arith.mulf %mul3A_36, %gather3A_457 : vector<16xf32>
        %add3A_459 = arith.addf %gather3A_456, %mul3A_458 : vector<16xf32>
        %sub3A_460 = arith.subf %add3A_459, %mul3A_261 : vector<16xf32>
        tpu.vector_store_idx %arg11[%broadcast_in_dim3A_446, %get3A_248], %sub3A masked %lt3A_7 : memref<8x2048xf32, #tpu.memory_space<vmem>>[vector<16xi32>, vector<16xi32>], vector<16xf32>, vector<16xi1>
        tpu.vector_store_idx %arg11[%broadcast_in_dim3A_446, %get3A_250], %sub3A_455 masked %lt3A_10 : memref<8x2048xf32, #tpu.memory_space<vmem>>[vector<16xi32>, vector<16xi32>], vector<16xf32>, vector<16xi1>
        tpu.vector_store_idx %arg11[%broadcast_in_dim3A_446, %get3A_252], %sub3A_460 masked %lt3A_13 : memref<8x2048xf32, #tpu.memory_space<vmem>>[vector<16xi32>, vector<16xi32>], vector<16xf32>, vector<16xi1>
      }
      %scan3A_384 = arith.constant 8 : i32
      %mul3A_385 = arith.constant 8 : i32
      %mul3A_386 = arith.muli %add3A_366, %mul3A_385 : i32
      %add3A_387 = arith.addi %mul3A_2, %mul3A_386 : i32
      %dma_start3A_388 = arith.constant 0 : i32
      %dma_start3A_389 = tpu.memref_slice %arg7[%add3A_387, %dma_start3A_388] : memref<16384x2048xf32, #tpu.memory_space<hbm>> -> memref<8x2048xf32, #tpu.memory_space<hbm>>
      %dma_start3A_390 = arith.constant 0 : i32
      %dma_start3A_391 = tpu.memref_slice %arg7[%add3A_387, %dma_start3A_390] : memref<16384x2048xf32, #tpu.memory_space<hbm>> -> memref<8x2048xf32, #tpu.memory_space<hbm>>
      tpu.enqueue_dma source(%arg11 : memref<8x2048xf32, #tpu.memory_space<vmem>>) target(%dma_start3A_391 : memref<8x2048xf32, #tpu.memory_space<hbm>>) target_semaphore(%arg38 : memref<!tpu.dma_semaphore, #tpu.memory_space<semaphore_mem>>)
      %ge3A_392 = arith.constant 2 : i32
      %ge3A_393 = arith.cmpi sge, %add3A_366, %ge3A_392 : i32
      %convert_element_type3A_394 = arith.extui %ge3A_393 : i1 to i32
      %cond3A_395 = arith.constant 0 : i32
      %cond3A_396 = arith.cmpi ne, %convert_element_type3A_394, %cond3A_395 : i32
      scf.if %cond3A_396 {
        %dma_wait3A_445 = arith.constant 0 : i32
        %dma_wait3A_446 = arith.constant 0 : i32
        %dma_wait3A_447 = tpu.memref_slice %arg7[%dma_wait3A_445, %dma_wait3A_446] : memref<16384x2048xf32, #tpu.memory_space<hbm>> -> memref<8x2048xf32, #tpu.memory_space<hbm>>
        %dma_wait3A_448 = arith.constant 0 : i32
        %dma_wait3A_449 = arith.constant 0 : i32
        %dma_wait3A_450 = tpu.memref_slice %arg7[%dma_wait3A_448, %dma_wait3A_449] : memref<16384x2048xf32, #tpu.memory_space<hbm>> -> memref<8x2048xf32, #tpu.memory_space<hbm>>
        tpu.wait_dma2 semaphore(%arg36 : memref<!tpu.dma_semaphore, #tpu.memory_space<semaphore_mem>>) src(%arg9 : memref<8x2048xf32, #tpu.memory_space<vmem>>) dst(%dma_wait3A_450 : memref<8x2048xf32, #tpu.memory_space<hbm>>)
      } else {
      }
      %add3A_397 = arith.constant 2 : i32
      %add3A_398 = arith.addi %add3A_366, %add3A_397 : i32
      %lt3A_399 = arith.constant 64 : i32
      %lt3A_400 = arith.cmpi slt, %add3A_398, %lt3A_399 : i32
      %convert_element_type3A_401 = arith.extui %lt3A_400 : i1 to i32
      %cond3A_402 = arith.constant 0 : i32
      %cond3A_403 = arith.cmpi ne, %convert_element_type3A_401, %cond3A_402 : i32
      scf.if %cond3A_403 {
        %add3A_445 = arith.constant 2 : i32
        %add3A_446 = arith.addi %add3A_366, %add3A_445 : i32
        %mul3A_447 = arith.constant 8 : i32
        %mul3A_448 = arith.muli %add3A_446, %mul3A_447 : i32
        %add3A_449 = arith.addi %mul3A_2, %mul3A_448 : i32
        %dma_start3A_450 = arith.constant 0 : i32
        %dma_start3A_451 = tpu.memref_slice %arg2[%add3A_449, %dma_start3A_450] : memref<16384x2048xf32, #tpu.memory_space<hbm>> -> memref<8x2048xf32, #tpu.memory_space<hbm>>
        %dma_start3A_452 = arith.constant 0 : i32
        %dma_start3A_453 = tpu.memref_slice %arg2[%add3A_449, %dma_start3A_452] : memref<16384x2048xf32, #tpu.memory_space<hbm>> -> memref<8x2048xf32, #tpu.memory_space<hbm>>
        tpu.enqueue_dma source(%dma_start3A_453 : memref<8x2048xf32, #tpu.memory_space<hbm>>) target(%arg9 : memref<8x2048xf32, #tpu.memory_space<vmem>>) target_semaphore(%arg28 : memref<!tpu.dma_semaphore, #tpu.memory_space<semaphore_mem>>)
        %dma_start3A_454 = arith.constant 0 : i32
        %dma_start3A_455 = tpu.memref_slice %arg3[%add3A_449, %dma_start3A_454] : memref<16384x36xf32, #tpu.memory_space<hbm>> -> memref<8x36xf32, #tpu.memory_space<hbm>>
        %dma_start3A_456 = arith.constant 0 : i32
        %dma_start3A_457 = tpu.memref_slice %arg3[%add3A_449, %dma_start3A_456] : memref<16384x36xf32, #tpu.memory_space<hbm>> -> memref<8x36xf32, #tpu.memory_space<hbm>>
        tpu.enqueue_dma source(%dma_start3A_457 : memref<8x36xf32, #tpu.memory_space<hbm>>) target(%arg13 : memref<8x36xf32, #tpu.memory_space<vmem>>) target_semaphore(%arg32 : memref<!tpu.dma_semaphore, #tpu.memory_space<semaphore_mem>>)
      } else {
      }
      %mul3A_404 = arith.constant 4 : i32
      %mul3A_405 = arith.muli %scan3A_281, %mul3A_404 : i32
      %add3A_406 = arith.constant 3 : i32
      %add3A_407 = arith.addi %mul3A_405, %add3A_406 : i32
      %dma_wait3A_408 = arith.constant 0 : i32
      %dma_wait3A_409 = arith.constant 0 : i32
      %dma_wait3A_410 = tpu.memref_slice %arg2[%dma_wait3A_408, %dma_wait3A_409] : memref<16384x2048xf32, #tpu.memory_space<hbm>> -> memref<8x2048xf32, #tpu.memory_space<hbm>>
      %dma_wait3A_411 = arith.constant 0 : i32
      %dma_wait3A_412 = arith.constant 0 : i32
      %dma_wait3A_413 = tpu.memref_slice %arg2[%dma_wait3A_411, %dma_wait3A_412] : memref<16384x2048xf32, #tpu.memory_space<hbm>> -> memref<8x2048xf32, #tpu.memory_space<hbm>>
      tpu.wait_dma2 semaphore(%arg31 : memref<!tpu.dma_semaphore, #tpu.memory_space<semaphore_mem>>) src(%dma_wait3A_413 : memref<8x2048xf32, #tpu.memory_space<hbm>>) dst(%arg12 : memref<8x2048xf32, #tpu.memory_space<vmem>>)
      %dma_wait3A_414 = arith.constant 0 : i32
      %dma_wait3A_415 = arith.constant 0 : i32
      %dma_wait3A_416 = tpu.memref_slice %arg3[%dma_wait3A_414, %dma_wait3A_415] : memref<16384x36xf32, #tpu.memory_space<hbm>> -> memref<8x36xf32, #tpu.memory_space<hbm>>
      %dma_wait3A_417 = arith.constant 0 : i32
      %dma_wait3A_418 = arith.constant 0 : i32
      %dma_wait3A_419 = tpu.memref_slice %arg3[%dma_wait3A_417, %dma_wait3A_418] : memref<16384x36xf32, #tpu.memory_space<hbm>> -> memref<8x36xf32, #tpu.memory_space<hbm>>
      tpu.wait_dma2 semaphore(%arg35 : memref<!tpu.dma_semaphore, #tpu.memory_space<semaphore_mem>>) src(%dma_wait3A_419 : memref<8x36xf32, #tpu.memory_space<hbm>>) dst(%arg16 : memref<8x36xf32, #tpu.memory_space<vmem>>)
      %scan3A_420 = arith.constant 0 : i32
      %scan3A_421 = arith.constant 0 : i32
      %scan3A_422 = arith.constant 8 : i32
      %scan3A_423 = arith.addi %scan3A_421, %scan3A_422 : i32
      %scan3A_424 = arith.constant 1 : i32
      scf.for %scan3A_445 = %scan3A_421 to %scan3A_423 step %scan3A_424  : i32 {
        %broadcast_in_dim3A_446 = vector.broadcast %scan3A_445 : i32 to vector<16xi32>
        %gather3A_447 = tpu.vector_load_idx %arg12[%broadcast_in_dim3A_446, %gather3A_253] masked %lt3A_7 : memref<8x2048xf32, #tpu.memory_space<vmem>>[vector<16xi32>, vector<16xi32>], vector<16xf32>, vector<16xi1>
        %gather3A_448 = tpu.vector_load_idx %arg16[%broadcast_in_dim3A_446, %get3A_242] masked %lt3A_7 : memref<8x36xf32, #tpu.memory_space<vmem>>[vector<16xi32>, vector<16xi32>], vector<16xf32>, vector<16xi1>
        %mul3A_449 = arith.mulf %mul3A_36, %gather3A_448 : vector<16xf32>
        %add3A_450 = arith.addf %gather3A_447, %mul3A_449 : vector<16xf32>
        %sub3A = arith.subf %add3A_450, %mul3A_257 : vector<16xf32>
        %gather3A_451 = tpu.vector_load_idx %arg12[%broadcast_in_dim3A_446, %gather3A_254] masked %lt3A_10 : memref<8x2048xf32, #tpu.memory_space<vmem>>[vector<16xi32>, vector<16xi32>], vector<16xf32>, vector<16xi1>
        %gather3A_452 = tpu.vector_load_idx %arg16[%broadcast_in_dim3A_446, %get3A_244] masked %lt3A_10 : memref<8x36xf32, #tpu.memory_space<vmem>>[vector<16xi32>, vector<16xi32>], vector<16xf32>, vector<16xi1>
        %mul3A_453 = arith.mulf %mul3A_36, %gather3A_452 : vector<16xf32>
        %add3A_454 = arith.addf %gather3A_451, %mul3A_453 : vector<16xf32>
        %sub3A_455 = arith.subf %add3A_454, %mul3A_259 : vector<16xf32>
        %gather3A_456 = tpu.vector_load_idx %arg12[%broadcast_in_dim3A_446, %gather3A_255] masked %lt3A_13 : memref<8x2048xf32, #tpu.memory_space<vmem>>[vector<16xi32>, vector<16xi32>], vector<16xf32>, vector<16xi1>
        %gather3A_457 = tpu.vector_load_idx %arg16[%broadcast_in_dim3A_446, %get3A_246] masked %lt3A_13 : memref<8x36xf32, #tpu.memory_space<vmem>>[vector<16xi32>, vector<16xi32>], vector<16xf32>, vector<16xi1>
        %mul3A_458 = arith.mulf %mul3A_36, %gather3A_457 : vector<16xf32>
        %add3A_459 = arith.addf %gather3A_456, %mul3A_458 : vector<16xf32>
        %sub3A_460 = arith.subf %add3A_459, %mul3A_261 : vector<16xf32>
        tpu.vector_store_idx %arg12[%broadcast_in_dim3A_446, %get3A_248], %sub3A masked %lt3A_7 : memref<8x2048xf32, #tpu.memory_space<vmem>>[vector<16xi32>, vector<16xi32>], vector<16xf32>, vector<16xi1>
        tpu.vector_store_idx %arg12[%broadcast_in_dim3A_446, %get3A_250], %sub3A_455 masked %lt3A_10 : memref<8x2048xf32, #tpu.memory_space<vmem>>[vector<16xi32>, vector<16xi32>], vector<16xf32>, vector<16xi1>
        tpu.vector_store_idx %arg12[%broadcast_in_dim3A_446, %get3A_252], %sub3A_460 masked %lt3A_13 : memref<8x2048xf32, #tpu.memory_space<vmem>>[vector<16xi32>, vector<16xi32>], vector<16xf32>, vector<16xi1>
      }
      %scan3A_425 = arith.constant 8 : i32
      %mul3A_426 = arith.constant 8 : i32
      %mul3A_427 = arith.muli %add3A_407, %mul3A_426 : i32
      %add3A_428 = arith.addi %mul3A_2, %mul3A_427 : i32
      %dma_start3A_429 = arith.constant 0 : i32
      %dma_start3A_430 = tpu.memref_slice %arg7[%add3A_428, %dma_start3A_429] : memref<16384x2048xf32, #tpu.memory_space<hbm>> -> memref<8x2048xf32, #tpu.memory_space<hbm>>
      %dma_start3A_431 = arith.constant 0 : i32
      %dma_start3A_432 = tpu.memref_slice %arg7[%add3A_428, %dma_start3A_431] : memref<16384x2048xf32, #tpu.memory_space<hbm>> -> memref<8x2048xf32, #tpu.memory_space<hbm>>
      tpu.enqueue_dma source(%arg12 : memref<8x2048xf32, #tpu.memory_space<vmem>>) target(%dma_start3A_432 : memref<8x2048xf32, #tpu.memory_space<hbm>>) target_semaphore(%arg39 : memref<!tpu.dma_semaphore, #tpu.memory_space<semaphore_mem>>)
      %ge3A_433 = arith.constant 2 : i32
      %ge3A_434 = arith.cmpi sge, %add3A_407, %ge3A_433 : i32
      %convert_element_type3A_435 = arith.extui %ge3A_434 : i1 to i32
      %cond3A_436 = arith.constant 0 : i32
      %cond3A_437 = arith.cmpi ne, %convert_element_type3A_435, %cond3A_436 : i32
      scf.if %cond3A_437 {
        %dma_wait3A_445 = arith.constant 0 : i32
        %dma_wait3A_446 = arith.constant 0 : i32
        %dma_wait3A_447 = tpu.memref_slice %arg7[%dma_wait3A_445, %dma_wait3A_446] : memref<16384x2048xf32, #tpu.memory_space<hbm>> -> memref<8x2048xf32, #tpu.memory_space<hbm>>
        %dma_wait3A_448 = arith.constant 0 : i32
        %dma_wait3A_449 = arith.constant 0 : i32
        %dma_wait3A_450 = tpu.memref_slice %arg7[%dma_wait3A_448, %dma_wait3A_449] : memref<16384x2048xf32, #tpu.memory_space<hbm>> -> memref<8x2048xf32, #tpu.memory_space<hbm>>
        tpu.wait_dma2 semaphore(%arg37 : memref<!tpu.dma_semaphore, #tpu.memory_space<semaphore_mem>>) src(%arg10 : memref<8x2048xf32, #tpu.memory_space<vmem>>) dst(%dma_wait3A_450 : memref<8x2048xf32, #tpu.memory_space<hbm>>)
      } else {
      }
      %add3A_438 = arith.constant 2 : i32
      %add3A_439 = arith.addi %add3A_407, %add3A_438 : i32
      %lt3A_440 = arith.constant 64 : i32
      %lt3A_441 = arith.cmpi slt, %add3A_439, %lt3A_440 : i32
      %convert_element_type3A_442 = arith.extui %lt3A_441 : i1 to i32
      %cond3A_443 = arith.constant 0 : i32
      %cond3A_444 = arith.cmpi ne, %convert_element_type3A_442, %cond3A_443 : i32
      scf.if %cond3A_444 {
        %add3A_445 = arith.constant 2 : i32
        %add3A_446 = arith.addi %add3A_407, %add3A_445 : i32
        %mul3A_447 = arith.constant 8 : i32
        %mul3A_448 = arith.muli %add3A_446, %mul3A_447 : i32
        %add3A_449 = arith.addi %mul3A_2, %mul3A_448 : i32
        %dma_start3A_450 = arith.constant 0 : i32
        %dma_start3A_451 = tpu.memref_slice %arg2[%add3A_449, %dma_start3A_450] : memref<16384x2048xf32, #tpu.memory_space<hbm>> -> memref<8x2048xf32, #tpu.memory_space<hbm>>
        %dma_start3A_452 = arith.constant 0 : i32
        %dma_start3A_453 = tpu.memref_slice %arg2[%add3A_449, %dma_start3A_452] : memref<16384x2048xf32, #tpu.memory_space<hbm>> -> memref<8x2048xf32, #tpu.memory_space<hbm>>
        tpu.enqueue_dma source(%dma_start3A_453 : memref<8x2048xf32, #tpu.memory_space<hbm>>) target(%arg10 : memref<8x2048xf32, #tpu.memory_space<vmem>>) target_semaphore(%arg29 : memref<!tpu.dma_semaphore, #tpu.memory_space<semaphore_mem>>)
        %dma_start3A_454 = arith.constant 0 : i32
        %dma_start3A_455 = tpu.memref_slice %arg3[%add3A_449, %dma_start3A_454] : memref<16384x36xf32, #tpu.memory_space<hbm>> -> memref<8x36xf32, #tpu.memory_space<hbm>>
        %dma_start3A_456 = arith.constant 0 : i32
        %dma_start3A_457 = tpu.memref_slice %arg3[%add3A_449, %dma_start3A_456] : memref<16384x36xf32, #tpu.memory_space<hbm>> -> memref<8x36xf32, #tpu.memory_space<hbm>>
        tpu.enqueue_dma source(%dma_start3A_457 : memref<8x36xf32, #tpu.memory_space<hbm>>) target(%arg14 : memref<8x36xf32, #tpu.memory_space<vmem>>) target_semaphore(%arg33 : memref<!tpu.dma_semaphore, #tpu.memory_space<semaphore_mem>>)
      } else {
      }
    }
    %scan3A_267 = arith.constant 16 : i32
    %dma_wait3A = arith.constant 0 : i32
    %dma_wait3A_268 = arith.constant 0 : i32
    %dma_wait3A_269 = tpu.memref_slice %arg7[%dma_wait3A, %dma_wait3A_268] : memref<16384x2048xf32, #tpu.memory_space<hbm>> -> memref<8x2048xf32, #tpu.memory_space<hbm>>
    %dma_wait3A_270 = arith.constant 0 : i32
    %dma_wait3A_271 = arith.constant 0 : i32
    %dma_wait3A_272 = tpu.memref_slice %arg7[%dma_wait3A_270, %dma_wait3A_271] : memref<16384x2048xf32, #tpu.memory_space<hbm>> -> memref<8x2048xf32, #tpu.memory_space<hbm>>
    tpu.wait_dma2 semaphore(%arg38 : memref<!tpu.dma_semaphore, #tpu.memory_space<semaphore_mem>>) src(%arg11 : memref<8x2048xf32, #tpu.memory_space<vmem>>) dst(%dma_wait3A_272 : memref<8x2048xf32, #tpu.memory_space<hbm>>)
    %dma_wait3A_273 = arith.constant 0 : i32
    %dma_wait3A_274 = arith.constant 0 : i32
    %dma_wait3A_275 = tpu.memref_slice %arg7[%dma_wait3A_273, %dma_wait3A_274] : memref<16384x2048xf32, #tpu.memory_space<hbm>> -> memref<8x2048xf32, #tpu.memory_space<hbm>>
    %dma_wait3A_276 = arith.constant 0 : i32
    %dma_wait3A_277 = arith.constant 0 : i32
    %dma_wait3A_278 = tpu.memref_slice %arg7[%dma_wait3A_276, %dma_wait3A_277] : memref<16384x2048xf32, #tpu.memory_space<hbm>> -> memref<8x2048xf32, #tpu.memory_space<hbm>>
    tpu.wait_dma2 semaphore(%arg39 : memref<!tpu.dma_semaphore, #tpu.memory_space<semaphore_mem>>) src(%arg12 : memref<8x2048xf32, #tpu.memory_space<vmem>>) dst(%dma_wait3A_278 : memref<8x2048xf32, #tpu.memory_space<hbm>>)
    %eq3A = arith.constant 0 : i32
    %eq3A_279 = arith.cmpi eq, %add3A, %eq3A : i32
    %convert_element_type3A = arith.extui %eq3A_279 : i1 to i32
    %cond3A = arith.constant 0 : i32
    %cond3A_280 = arith.cmpi ne, %convert_element_type3A, %cond3A : i32
    scf.if %cond3A_280 {
      %swap3A_281 = arith.constant 0 : index
      %swap3A_282 = tpu.vector_load %arg24[%swap3A_281] {strides = array<i32>} : memref<16xf32, #tpu.memory_space<vmem>>, vector<16xf32>,
      tpu.vector_store %arg24[%swap3A_281], %div3A_33 {strides = array<i32>} : memref<16xf32, #tpu.memory_space<vmem>>, vector<16xf32>,
      "tpu.region"() ({
        %run_scoped3A = tpu.sem_alloc : memref<!tpu.dma_semaphore, #tpu.memory_space<semaphore_mem>>
        tpu.enqueue_dma source(%arg24 : memref<16xf32, #tpu.memory_space<vmem>>) target(%arg8 : memref<16xf32, #tpu.memory_space<hbm>>) target_semaphore(%run_scoped3A : memref<!tpu.dma_semaphore, #tpu.memory_space<semaphore_mem>>)
        tpu.wait_dma2 semaphore(%run_scoped3A : memref<!tpu.dma_semaphore, #tpu.memory_space<semaphore_mem>>) src(%arg24 : memref<16xf32, #tpu.memory_space<vmem>>) dst(%arg8 : memref<16xf32, #tpu.memory_space<hbm>>)
        tpu.yield
      }) : () -> ()
    } else {
    }
    return
  }
}

</mosaic_0001>

<sc_bundles>
// kernel: kernel.3.cloned.1.call-start
scs
__scs_entry_jumppad:
0x0: {  	(pc) =	sbr.rel $0x88, $3  }
0x1: {  	(tag) =	ssettag $0x0;
	lr =	simm.s32 $0x1  }
0x2: {  	[smem:$0x3F9C] =	sst lr;
	_ =	strace $0xD0000000  }
0x3: {  	_ = 	snop  }
0x4: {  	_ = 	snop  }
0x5: {  	_ = 	snop  }
0x6: {  	_ = 	snop  }
0x7: {  	_ = 	snop  }
__scs_overlays_trampoline_lowered:
0x8: {  	[smem:$0x3FAB] =	sst s0  }
0x9: {  	[smem:$0x3FAC] =	sst s1  }
0xa: {  	[smem:$0x3FAD] =	sst s2  }
0xb: {  	[smem:$0x3FAE] =	sst s3  }
0xc: {  	[smem:$0x3FAF] =	sst s4  }
0xd: {  	[smem:$0x3FB0] =	sst s5  }
0xe: {  	[smem:$0x3FB1] =	sst s6  }
0xf: {  	[smem:$0x3FB2] =	sst s7  }
0x10: {  	[smem:$0x3FB3] =	sst s8  }
0x11: {  	[smem:$0x3FB4] =	sst s9;
	s0 =	simm.s32 @!p0 $0x0  }
0x12: {  	s1 =	sld [smem:$0x3F9A];
	s0 =	simm.s32 @p0 $0x1  }
0x13: {  	[smem:$0x3FB5] =	sst s0;
	s0 =	simm.s32 @!p1 $0x0  }
0x14: {  	s2 =	sld [smem:$0x3F99];
	s0 =	simm.s32 @p1 $0x1  }
0x15: {  	[smem:$0x3FB6] =	sst s0;
	s0 =	simm.s32 @!p2 $0x0  }
0x16: {  	s3 =	sld [smem:$0x3FDB];
	s0 =	simm.s32 @p2 $0x1  }
0x17: {  	s4 =	simm.s32 $0x1BF5;
	[smem:$0x3FB8] =	sst s0  }
0x18: {  	s0 =	sld [smem:$0x3F9B];
	_ =	swait.ge [sflag:s4], $0x0  }
0x19: {  	s7 =	sld [smem:$0x3F9C]  }
0x1a: {  	s8 =	sadd.s32 $0xFFFFE003, lr  }
0x1b: {  	s9 =	sadd.s32 $0xFFFFFEF7, lr;
	s5 =	simm.s32 $0xFFFFFFFF;
	p2 =	slt.u32 s8, $0xFFFFF086  }
0x1c: {  	p1 =	slt.u32 s9, $0xF7A;
	s5 =	simm.s32 @!p2 $0x0  }
0x1d: {  	s5 =	simm.s32 @p1 $0x1;
	p0 =	seq.s32 s7, s2  }
0x1e: {  	s7 =	smul.u32 @!p0 $0xF7A, s2;
	p2 =	seq.s32 @!p0 s5, $0x0  }
0x1f: {  	s9 =	smul.u32 $0xF7A, s1;
	s8 =	simm.s32 @!p0 $0x1BF5;
	p2 =	por !p2, p0  }
0x20: {  	[sflag:s8] =	ssyncset.s32 @!p0 $0xFFFFF086;
	s6 =	sadd.s32 @!p0 s3, s7;
	s7 =	simm.s32 @!p0 $0x108  }
0x21: {  	s3 =	sadd.s32 s3, s9;
	s6 =	sadd.s32 @!p0 $0x88, s6;
	s7 =	simm.s32 @p2 $0x1082  }
0x22: {  	[simem:s7], [sflag:s8] =	dma.local @!p0 [hbm:s6], $0xF7A  }
0x23: {  	s9 =	sor.u32 $0xD0000000, s2;
	s6 =	simm.s32 $0x108;
	_ =	swait.ge @!p0 [sflag:s8], $0x0  }
0x24: {  	s3 =	sadd.s32 $0x88, s3;
	s6 =	simm.s32 @!p1 $0x1082;
	[sflag:s4] =	ssyncset.s32 $0xFFFFF086  }
0x25: {  	[simem:s6], [sflag:s4] =	dma.local [hbm:s3], $0xF7A  }
0x26: {  	[smem:$0x3F9C] =	sst s1;
	(tag) =	ssettag s2;
	_ =	strace s9  }
0x27: {  	s1 =	sld [smem:$0x3FAC]  }
0x28: {  	s2 =	sld [smem:$0x3FAD]  }
0x29: {  	s4 =	sld [smem:$0x3FAF]  }
0x2a: {  	p0 =	seq.s32 s5, $0x0;
	s5 =	sld [smem:$0x3FB0]  }
0x2b: {  	s6 =	sld [smem:$0x3FB1]  }
0x2c: {  	s7 =	sld [smem:$0x3FB2]  }
0x2d: {  	s3 =	simm.s32 $0x108;
	s8 =	sld [smem:$0x3FB3]  }
0x2e: {  	s3 =	simm.s32 @!p0 $0x1082;
	s9 =	sld [smem:$0x3FB4]  }
0x2f: {  	lr =	sadd.s32 s0, s3;
	s0 =	sld [smem:$0x3FAB]  }
0x30: {  	s3 =	sld [smem:$0x3FAE]  }
0x31: {  	[smem:$0x3FB7] =	sst s10  }
0x32: {  	s10 =	sld [smem:$0x3FB5];
	_ =	sdelay $0x3  }
0x33: {  	p0 =	seq.s32 s10, $0x1;
	s10 =	sld [smem:$0x3FB7];
	_ =	sdelay $0x3  }
0x34: {  	[smem:$0x3FB7] =	sst s10  }
0x35: {  	s10 =	sld [smem:$0x3FB6];
	_ =	sdelay $0x3  }
0x36: {  	p1 =	seq.s32 s10, $0x1;
	s10 =	sld [smem:$0x3FB7];
	_ =	sdelay $0x3  }
0x37: {  	[smem:$0x3FB7] =	sst s10  }
0x38: {  	s10 =	sld [smem:$0x3FB8]  }
0x39: {  	_ = 	snop;
	(pc) =	sbr.ind lr, $3  }
0x3a: {  	_ = 	snop  }
0x3b: {  	_ = 	snop  }
0x3c: {  	p2 =	seq.s32 s10, $0x1;
	s10 =	sld [smem:$0x3FB7]  }
0x3d: {  	_ =	shalt  }
0x3e: {  	_ =	shalt  }
0x3f: {  	_ =	shalt  }
0x40: {  	_ =	shalt  }
0x41: {  	_ =	shalt  }
0x42: {  	_ =	shalt  }
0x43: {  	_ =	shalt  }
0x44: {  	_ =	shalt  }
0x45: {  	_ =	shalt  }
0x46: {  	_ =	shalt  }
0x47: {  	_ =	shalt  }
0x48: {  	_ =	shalt  }
0x49: {  	_ =	shalt  }
0x4a: {  	_ =	shalt  }
0x4b: {  	_ =	shalt  }
0x4c: {  	_ =	shalt  }
0x4d: {  	_ =	shalt  }
0x4e: {  	_ =	shalt  }
0x4f: {  	_ =	shalt  }
0x50: {  	_ =	shalt  }
0x51: {  	_ =	shalt  }
0x52: {  	_ =	shalt  }
0x53: {  	_ =	shalt  }
0x54: {  	_ =	shalt  }
0x55: {  	_ =	shalt  }
0x56: {  	_ =	shalt  }
0x57: {  	_ =	shalt  }
0x58: {  	_ =	shalt  }
0x59: {  	_ =	shalt  }
0x5a: {  	_ =	shalt  }
0x5b: {  	_ =	shalt  }
0x5c: {  	_ =	shalt  }
0x5d: {  	_ =	shalt  }
0x5e: {  	_ =	shalt  }
0x5f: {  	_ =	shalt  }
0x60: {  	_ =	shalt  }
0x61: {  	_ =	shalt  }
0x62: {  	_ =	shalt  }
0x63: {  	_ =	shalt  }
0x64: {  	_ =	shalt  }
0x65: {  	_ =	shalt  }
0x66: {  	_ =	shalt  }
0x67: {  	_ =	shalt  }
0x68: {  	_ =	shalt  }
0x69: {  	_ =	shalt  }
0x6a: {  	_ =	shalt  }
0x6b: {  	_ =	shalt  }
0x6c: {  	_ =	shalt  }
0x6d: {  	_ =	shalt  }
0x6e: {  	_ =	shalt  }
0x6f: {  	_ =	shalt  }
0x70: {  	_ =	shalt  }
0x71: {  	_ =	shalt  }
0x72: {  	_ =	shalt  }
0x73: {  	_ =	shalt  }
0x74: {  	_ =	shalt  }
0x75: {  	_ =	shalt  }
0x76: {  	_ =	shalt  }
0x77: {  	_ =	shalt  }
0x78: {  	_ =	shalt  }
0x79: {  	_ =	shalt  }
0x7a: {  	_ =	shalt  }
0x7b: {  	_ =	shalt  }
0x7c: {  	_ =	shalt  }
0x7d: {  	_ =	shalt  }
0x7e: {  	_ =	shalt  }
0x7f: {  	_ =	shalt  }
0x80: {  	_ =	shalt  }
0x81: {  	_ =	shalt  }
0x82: {  	_ =	shalt  }
0x83: {  	_ =	shalt  }
0x84: {  	_ =	shalt  }
0x85: {  	_ =	shalt  }
0x86: {  	_ =	shalt  }
0x87: {  	_ =	shalt  }
.Lfunc_end0:
.L_simem_size_0:
called_computation_lowered:
.L_overlay_start_0:
0x88: {  	s2 =	sld [smem:$0x3FD9]  }
0x89: {  	s3 =	sld [smem:$0x3FFE];
	_ =	sdelay $0x1  }
0x8a: {  	s1 =	srdreg.scid  }
0x8b: {  	s0 =	sand.u32 $0x1, s1  }
0x8c: {  	s14 =	sshll.u32 s0, $0xA;
	s2 =	sadd.s32 s3, s2  }
0x8d: {  	s2 =	sadd.s32 s2, s14  }
0x8e: {  	[smem:$0x3FC3] =	sst s2  }
0x8f: {  	_ = 	snop  }
0x90: {  	s2 =	sld [smem:$0x3FC9]  }
0x91: {  	s15 =	sld [smem:$0x3FD0]  }
0x92: {  	s4 =	sld [smem:$0x3FC8]  }
0x93: {  	s5 =	sld [smem:$0x3FC6]  }
0x94: {  	s7 =	simm.s32 $0xA;
	s8 =	simm.s32 $0x10;
	s6 =	sld [smem:$0x3FC5]  }
0x95: {  	[smem:s8], [sflag:s7] =	dma.local [hbm:s15], $0x1  }
0x96: {  	_ =	swait.eq [sflag:s7], $0x1  }
0x97: {  	[sflag:s7] =	ssyncset.done $0x0  }
0x98: {  	s16 =	sld [smem:$0x10];
	[sflag:s7] =	ssyncadd.s32 $0xFFFFFFFF  }
0x99: {  	s17 =	sld [smem:$0x11];
	(tm) =	ssettm $0x1  }
0x9a: {  	s18 =	sld [smem:$0x3FFB];
	_ =	sdelay $0x3  }
0x9b: {  	_ =	strace s18  }
0x9c: {  	s8 =	sld [smem:$0x3FFC];
	_ =	sdelay $0x3  }
0x9d: {  	_ =	strace s8  }
0x9e: {  	s8 =	sld [smem:$0x3FFD];
	_ =	sdelay $0x3  }
0x9f: {  	_ =	strace s8  }
0xa0: {  	_ =	strace $0x8FFFFFFF  }
0xa1: {  	s19 =	sld [smem:$0x3FDB];
	_ =	sdelay $0x1  }
0xa2: {  	s9 =	simm.s32 $_scs_section_size  }
0xa3: {  	s10 =	simm.s32 $_size__tile_overlayer_lowered;
	s11 =	simm.s32 $_tile_overlayer_lowered  }
0xa4: {  	s22 =	simm.s32 $0x1BFF;
	s21 =	sshll.u32 s11, $0x1;
	s8 =	sadd.s32 s9, s19  }
0xa5: {  	s12 =	simm.s32 $0x0;
	s20 =	sshll.u32 s10, $0x1;
	s10 =	sadd.s32 s21, s8  }
0xa6: {  	[timem:s12], [sflag:s22] =	dma.local [hbm:s10], s20  }
0xa7: {  	_ =	swait.ge [sflag:s22], s20  }
0xa8: {  	s9 =	ssub.s32 $0x0, s20;
	[sflag:s22] =	ssyncset.done $0x0  }
0xa9: {  	[sflag:s22] =	ssyncadd.s32 s9;
	_ =	sdelay $0x1  }
0xaa: {  	s23 =	simm.s32 $0x1B8B  }
0xab: {  	_ =	swait.ge [sflag:s23], $0x1  }
0xac: {  	[sflag:s23] =	ssyncset.done $0x0  }
0xad: {  	s25 =	simm.s32 $0x1B8E;
	s24 =	sld [smem:$0x3FFE];
	[sflag:s23] =	ssyncadd.s32 $0xFFFFFFFF  }
0xae: {  	s26 =	simm.s32 $execute0_lowered;
	[smem:$0x3FD2] =	sst s25  }
0xaf: {  	s10 =	sshll.u32 s26, $0x1;
	_ =	strace $0x80000046;
	[dreg:$0x1] =	wrdreg $0xFFFFFFFF  }
0xb0: {  	s28 =	simm.s32 $_size_execute0_lowered;
	s8 =	sadd.s32 s8, s10;
	[dreg:$0x0] =	wrdreg $0x0  }
0xb1: {  	s10 =	sshll.u32 s28, $0x1;
	[dreg:$0x2] =	wrdreg s8  }
0xb2: {  	[dreg:$0x3] =	wrdreg s10  }
0xb3: {  	[dreg:$0x4] =	wrdreg $0xC0  }
0xb4: {  	_ =	task [dreg:s12], $0x5FFFF  }
0xb5: {  	[dreg:$0x1] =	wrdreg $0xFFFFFFFF  }
0xb6: {  	[dreg:$0x0] =	wrdreg $0x60  }
0xb7: {  	[dreg:$0x2] =	wrdreg s2  }
0xb8: {  	[dreg:$0x3] =	wrdreg s24  }
0xb9: {  	[dreg:$0x4] =	wrdreg s5  }
0xba: {  	[dreg:$0x5] =	wrdreg s6  }
0xbb: {  	[dreg:$0x6] =	wrdreg s4  }
0xbc: {  	[dreg:$0x7] =	wrdreg s16  }
0xbd: {  	[dreg:$0x8] =	wrdreg s17  }
0xbe: {  	[dreg:$0x9] =	wrdreg $0x195800  }
0xbf: {  	[dreg:$0xa] =	wrdreg $0x9  }
0xc0: {  	_ =	task.clear_ibuf [dreg:s12], $0xBFFFF;
	_ =	strace $0x90000046  }
0xc1: {  	s29 =	simm.s32 $0x9;
	_ =	strace $0x80000048  }
0xc2: {  	_ =	swait.ge [sflag:s29], $0x1  }
0xc3: {  	[sflag:s29] =	ssyncadd.s32 $0xFFFFFFFF  }
0xc4: {  	_ =	strace $0x90000048  }
0xc5: {  	_ =	sfence  }
0xc6: {  	s30 =	sld [smem:$0x0];
	_ =	sdelay $0x2  }
0xc7: {  	s31 =	sshll.u32 s1, $0xD;
	s1 =	sshrl.u32 s1, $0x2  }
0xc8: {  	s3 =	sand.u32 $0x4000, s31;
	s1 =	sadd.s32 s1, s30  }
0xc9: {  	s0 =	sor.u32 s3, s0;
	s1 =	sshll.u32 s1, $0x11  }
0xca: {  	s0 =	sor.u32 s1, s0  }
0xcb: {  	s0 =	sadd.s32 $0x8F2B, s0  }
0xcc: {  	[sflag:s0] =	ssyncadd.remote.s32 $0x1  }
0xcd: {  	_ =	sfence.sel $0xFFFF  }
0xce: {  	[dreg:$0x0] =	wrdreg $0xFFFFFFFF;
	(pc) =	sbr.abs _section_cstart, $3  }
0xcf: {  	[dreg:$0x1] =	wrdreg $0xFFFFFFFF  }
0xd0: {  	_ =	task.clear_ibuf [dreg:s12], $0x2FFFF;
	_ =	strace $0x9FFFFFFF  }
0xd1: {  	(tm) =	ssettm $0x7FFFFFFF  }
tec
execute0_lowered:
.L_overlay_start_1:
0x0: {  	(tag) =	ssettag $0x1  }
0x1: {  	s0 =	rddreg [dreg:$0x0]  }
0x2: {  	s1 =	rddreg [dreg:$0x1]  }
0x3: {  	s2 =	rddreg [dreg:$0x5]  }
0x4: {  	s12 =	rddreg [dreg:$0x7];
	s3 =	srdreg.scid;
	s8 =	simm.s32 $0x0  }
0x5: {  	s11 =	stileid.u32;
	s29 =	simm.s32 $0x10000;
	s30 =	simm.s32 $0x4000  }
0x6: {  	s31 =	simm.s32 $0x10400;
	s13 =	simm.s32 $0x8;
	s28 =	simm.s32 $0xC000  }
0x7: {  	s15 =	simm.s32 $0x10C00;
	s14 =	simm.s32 $0x6;
	s3 =	sand.u32 $0x1, s3  }
0x8: {  	[smem:$0x7FF] =	sst s8;
	s6 =	sshll.u32 s11, $0x1;
	s9 =	sadd.s32 $0x800, s1  }
0x9: {  	s7 =	sshll.u32 s11, $0xE;
	s11 =	smul.u32 $0xC0, s11;
	s4 =	ssub.s32 $0x2, s3  }
0xa: {  	_ =	strace $0x80000047;
	s3 =	sor.u32 s3, s6;
	s22 =	sadd.s32 s9, s7  }
0xb: {  	s5 =	sshrl.u32 s4, $0x1;
	s10 =	sshll.u32 s3, $0x6;
	s17 =	sshll.u32 s3, $0x11  }
0xc: {  	s18 =	sshll.u32 s3, $0xD;
	s23 =	sadd.s32 $0x800, s22;
	s24 =	sshrl.u32 s11, $0x2  }
0xd: {  	s7 =	sadd.s32 $0x1000, s22;
	[dreg:$0xc] =	wrdreg s22;
	p0 =	sne.s32 s3, $0x0  }
0xe: {  	s11 =	simm.s32 $0x10800;
	s16 =	ssub.s32 s4, s5;
	s19 =	sadd.s32 s0, s17  }
0xf: {  	s5 =	sadd.s32 s9, s18;
	s20 =	sor.u32 $0x1, s10;
	[dreg:$0xe] =	wrdreg s23  }
0x10: {  	[dreg:$0xf] =	wrdreg s7;
	s25 =	sor.u32 $0x4, s10;
	s26 =	sor.u32 $0x5, s10  }
0x11: {  	s7 =	simm.s32 $0x15000;
	s4 =	simm.s32 $0x7;
	[dreg:$0x9] =	wrdreg s19  }
0x12: {  	s23 =	simm.s32 $0xB;
	[dreg:$0xa] =	wrdreg s5;
	s21 =	sshll.u32 s20, $0xB  }
0x13: {  	s5 =	sshll.u32 s20, $0x7;
	s20 =	sadd.s32 s2, s17;
	[dreg:$0x12] =	wrdreg s25  }
0x14: {  	[dreg:$0x13] =	wrdreg s26;
	s1 =	smax.u32 s16, $0x1;
	s2 =	simm.s32 $0x11000  }
0x15: {  	s26 =	simm.s32 $0x3;
	s16 =	simm.s32 $0x5;
	s19 =	simm.s32 $0x9  }
.Ltmp0:
0x16: {  	s6 =	sadd.s32 s0, s21;
	[dreg:$0x14] =	wrdreg s1;
	(pc) =	sbr.rel .LBB2_1-.Ltmp0, $4  }
0x17: {  	s17 =	simm.s32 $0x0;
	s5 =	sadd.s32 s9, s5;
	[dreg:$0xb] =	wrdreg s6  }
0x18: {  	[dreg:$0xd] =	wrdreg s5;
	s6 =	sadd.s32 $0x1800, s22;
	s5 =	sadd.s32 s24, s12  }
0x19: {  	v1 =	vlaneseq.u32;
	s12 =	simm.s32 $0x4;
	s24 =	simm.s32 $0xC;
	[dreg:$0x10] =	wrdreg s6  }
0x1a: {  	v0 =	vimm.s32 $0x0;
	vm0 =	vmmov $0xf;
	v1 =	vor.u32 $0x20, v1;
	[dreg:$0x11] =	wrdreg s5;
	s5 =	simm.s32 $0x8000;
	s6 =	simm.s32 $0xA  }
.LBB2_19:
0x1b: {  	s1 =	simm.s32 $0xD  }
0x1c: {  	_ =	swait.ge [sflag:s1], $0x4000  }
0x1d: {  	[sflag:s1] =	ssyncset.done $0x0  }
0x1e: {  	s21 =	simm.s32 $0xE;
	[sflag:s1] =	ssyncadd.s32 $0xFFFFC000  }
0x1f: {  	_ =	swait.ge [sflag:s21], $0x4000  }
0x20: {  	[sflag:s21] =	ssyncset.done $0x0  }
0x21: {  	[sflag:s21] =	ssyncadd.s32 $0xFFFFC000  }
0x22: {  	s3 =	simm.s32 @!p0 $0x19180;
	s1 =	simm.s32 @!p0 $0x0;
	[tilespmem:$0x19180] =	vst @!p0 v2;
	s17 =	rddreg [dreg:$0x6]  }
0x23: {  	[hbm4b:s17+s1] =	stream.linear.scatter @!p0 [tilespmem:s3], [sflag:$0xF], $0x80, $0x38;
	[tilespmem:$0x195B0] =	vst v63  }
0x24: {  	s1 =	simm.s32 @!p0 $0xF  }
0x25: {  	_ =	swait.ge @!p0 [sflag:s1], $0x80  }
0x26: {  	s22 =	rddreg [dreg:$0x15]  }
0x27: {  	s25 =	rddreg [dreg:$0x14];
	s17 =	sadd.s32 $0x1, s22  }
0x28: {  	p1 =	sne.s32 s17, s25  }
.Ltmp1:
0x29: {  	_ = 	snop;
	(pc) =	sbr.rel @!p1 .LBB2_20-.Ltmp1, $3  }
0x2a: {  	_ =	sdelay $0x1  }
0x2b: {  	[sflag:s1] =	ssyncset.done @!p0 $0x0  }
0x2c: {  	[sflag:s1] =	ssyncadd.s32 @!p0 $0xFFFFFF80  }
.LBB2_1:
0x2d: {  	[tilespmem:$0x19000] =	vst v0  }
0x2e: {  	[tilespmem:$0x19080] =	vst v0  }
0x2f: {  	[tilespmem:$0x19010] =	vst v0  }
0x30: {  	[tilespmem:$0x19090] =	vst v0  }
0x31: {  	[tilespmem:$0x19020] =	vst v0  }
0x32: {  	[tilespmem:$0x190A0] =	vst v0;
	v3 =	vimm.f32 $0.0e+00  }
0x33: {  	s1 =	rddreg [dreg:$0x2];
	s3 =	simm.s32 $0x19000;
	[tilespmem:$0x19180] =	vst v3  }
0x34: {  	[tilespmem:s3], [sflag:$0xF] =	stream.linear.gather [hbm4b:s1+s8], $0x24, $0x38;
	[tilespmem:$0x195B0] =	vst v63  }
0x35: {  	[dreg:$0x15] =	wrdreg s17;
	s3 =	simm.s32 $0xF  }
0x36: {  	_ =	swait.ge [sflag:s3], $0x24  }
0x37: {  	[sflag:s3] =	ssyncset.done $0x0  }
0x38: {  	[sflag:s3] =	ssyncadd.s32 $0xFFFFFFDC  }
0x39: {  	s21 =	simm.s32 $0x19080;
	s18 =	rddreg [dreg:$0x3]  }
0x3a: {  	[tilespmem:s21], [sflag:$0xF] =	stream.linear.gather [hbm4b:s18+s8], $0x24, $0x38;
	[tilespmem:$0x195B0] =	vst v63  }
0x3b: {  	_ =	swait.ge [sflag:s3], $0x24  }
0x3c: {  	[sflag:s3] =	ssyncset.done $0x0  }
0x3d: {  	[sflag:s3] =	ssyncadd.s32 $0xFFFFFFDC  }
0x3e: {  	s25 =	simm.s32 $0x19180;
	s22 =	rddreg [dreg:$0x4]  }
0x3f: {  	[tilespmem:s25], [sflag:$0xF] =	stream.linear.gather [hbm4b:s22+s8], $0x1, $0x38;
	[tilespmem:$0x195B0] =	vst v63  }
0x40: {  	_ =	swait.ge [sflag:s3], $0x1  }
0x41: {  	[sflag:s3] =	ssyncset.done $0x0;
	s17 =	rddreg [dreg:$0xa]  }
0x42: {  	[sflag:s3] =	ssyncadd.s32 $0xFFFFFFFF;
	s3 =	rddreg [dreg:$0x9]  }
0x43: {  	v2 =	vld.msk [tilespmem:s25+$0x0], $0xffff;
	[tilespmem:s8], [sflag:$0x3] =	stream.linear.gather [hbm4b:s3+s8], $0x4000, $0x38  }
0x44: {  	s18 =	rddreg [dreg:$0xb]  }
0x45: {  	[tilespmem:s29], [sflag:$0x7] =	stream.linear.gather [hbm4b:s17+s8], $0x400, $0x38;
	[tilespmem:$0x195B0] =	vst v63  }
0x46: {  	s21 =	rddreg [dreg:$0xd]  }
0x47: {  	[tilespmem:s30], [sflag:$0x4] =	stream.linear.gather [hbm4b:s18+s8], $0x4000, $0x38;
	[tilespmem:$0x195B0] =	vst v63  }
0x48: {  	s22 =	rddreg [dreg:$0xc]  }
0x49: {  	[tilespmem:s31], [sflag:$0x8] =	stream.linear.gather [hbm4b:s21+s8], $0x400, $0x38;
	[tilespmem:$0x195B0] =	vst v63  }
0x4a: {  	s25 =	rddreg [dreg:$0xe]  }
0x4b: {  	[tilespmem:s2], [sflag:$0x1] =	stream.linear.gather [hbm4b:s22+s8], $0x4000, $0x38;
	[tilespmem:$0x195B0] =	vst v63  }
0x4c: {  	s3 =	rddreg [dreg:$0xf];
	s17 =	simm.s32 $0x0  }
0x4d: {  	v4 =	vimm.f32 $0.0e+00;
	v5 =	vimm.f32 $0.0e+00;
	[tilespmem:s7], [sflag:$0x2] =	stream.linear.gather [hbm4b:s25+s8], $0x4000, $0x38;
	[tilespmem:$0x195B0] =	vst v63  }
.LBB2_2:
0x4e: {  	s18 =	simm.s32 $0x0;
	s1 =	simm.s32 $0x1  }
0x4f: {  	s25 =	simm.s32 $0x80;
	v6 =	vor.u32 s18, v1;
	_ =	swait.ge [sflag:s1], $0x4000  }
0x50: {  	v8 =	vor.u32 s25, v1;
	[sflag:s1] =	ssyncset.done $0x0  }
0x51: {  	s21 =	simm.s32 $0x11090;
	[sflag:s1] =	ssyncadd.s32 $0xFFFFC000  }
0x52: {  	v12 =	vld [tilespmem:s21+$0xFFFFFF70]  }
0x53: {  	s22 =	simm.s32 $0x100;
	v10 =	vld [tilespmem:s21+$0xFFFFFF80]  }
0x54: {  	v13 =	vor.u32 s22, v1;
	v7 =	vld.idx.msk [tilespmem:v6+s2+$0x0], $0xf  }
0x55: {  	s25 =	simm.s32 $0x180;
	v6 =	vld.idx.msk [tilespmem:v8+s2+$0x0], $0xf  }
0x56: {  	v14 =	vor.u32 s25, v1;
	v8 =	vld [tilespmem:s21+$0xFFFFFFF0]  }
0x57: {  	v11 =	vld [tilespmem:s21+$0x0];
	s21 =	simm.s32 $0x11190  }
0x58: {  	s18 =	simm.s32 $0x4;
	v9 =	vld [tilespmem:s21+$0xFFFFFF70]  }
.LBB2_3:
0x59: {  	s22 =	sshll.u32 s18, $0x7;
	p1 =	sne.s32 s18, $0x7E;
	s18 =	sadd.s32 $0x2, s18;
	v15 =	vnsel vm0, $0x0, v7;
	v7 =	vld.idx.msk [tilespmem:v13+s2+$0x0], $0xf;
	v5 =	vadd.f32 v12, v5  }
.Ltmp2:
0x5a: {  	v4 =	vadd.f32 v10, v4;
	v13 =	vor.u32 s22, v1;
	v10 =	vld [tilespmem:s21+$0xFFFFFF80];
	v3 =	vadd.f32 v15, v3;
	(pc) =	sbr.rel @p1 .LBB2_3-.Ltmp2, $4  }
0x5b: {  	s22 =	sadd.s32 $0x80, s22;
	v15 =	vnsel vm0, $0x0, v6;
	v6 =	vld.idx.msk [tilespmem:v14+s2+$0x0], $0xf;
	v5 =	vadd.f32 v8, v5  }
0x5c: {  	v14 =	vor.u32 s22, v1;
	v8 =	vld [tilespmem:s21+$0xFFFFFFF0];
	v4 =	vadd.f32 v11, v4;
	v3 =	vadd.f32 v15, v3  }
0x5d: {  	v11 =	vld [tilespmem:s21+$0x0];
	s21 =	sadd.s32 $0x100, s21;
	v12 =	vmov v9  }
0x5e: {  	v9 =	vld [tilespmem:s21+$0xFFFFFF70]  }
0x5f: {  	_ =	sdelay $0x3  }
0x60: {  	v13 =	vld.idx.msk [tilespmem:v13+s2+$0x0], $0xf  }
0x61: {  	v15 =	vld [tilespmem:s21+$0xFFFFFF80]  }
0x62: {  	s18 =	sshll.u32 s17, $0xC;
	p1 =	seq.s32 s17, $0x3;
	v16 =	vld [tilespmem:s21+$0xFFFFFFF0];
	s1 =	simm.s32 $0x0  }
0x63: {  	v17 =	vld [tilespmem:s21+$0x0];
	s22 =	sadd.s32 @!p1 s18, s3;
	s21 =	simm.s32 @!p1 $0x0;
	s25 =	simm.s32 @!p1 $0x11000  }
0x64: {  	v14 =	vld.idx.msk [tilespmem:v14+s2+$0x0], $0xf;
	v5 =	vadd.f32 v12, v5;
	v4 =	vadd.f32 v10, v4;
	v7 =	vnsel vm0, $0x0, v7;
	[tilespmem:s25], [sflag:$0x1] =	stream.linear.gather @!p1 [hbm4b:s22+s21], $0x4000, $0x38  }
0x65: {  	v18 =	vor.u32 s1, v1;
	v7 =	vadd.f32 v7, v3;
	s22 =	simm.s32 $0x2  }
0x66: {  	v5 =	vadd.f32 v8, v5;
	_ =	swait.ge [sflag:s22], $0x4000;
	v8 =	vadd.f32 v11, v4;
	v4 =	vnsel vm0, $0x0, v6  }
0x67: {  	s25 =	simm.s32 $0x80;
	[sflag:s22] =	ssyncset.done $0x0;
	v6 =	vadd.f32 v4, v7  }
0x68: {  	s21 =	simm.s32 $0x15090;
	v19 =	vor.u32 s25, v1;
	v7 =	vadd.f32 v9, v5;
	[sflag:s22] =	ssyncadd.s32 $0xFFFFC000;
	v9 =	vnsel vm0, $0x0, v13  }
0x69: {  	v10 =	vld [tilespmem:s21+$0xFFFFFF70];
	v12 =	vadd.f32 v9, v6  }
0x6a: {  	v13 =	vnsel vm0, $0x0, v14;
	s22 =	simm.s32 $0x100;
	v3 =	vld.idx.msk [tilespmem:v18+s7+$0x0], $0xf  }
0x6b: {  	v4 =	vld [tilespmem:s21+$0xFFFFFF80];
	v14 =	vadd.f32 v13, v12;
	v13 =	vor.u32 s22, v1  }
0x6c: {  	s25 =	simm.s32 $0x180;
	v6 =	vld [tilespmem:s21+$0xFFFFFFF0]  }
0x6d: {  	v8 =	vadd.f32 v15, v8;
	v5 =	vld.idx.msk [tilespmem:v19+s7+$0x0], $0xf;
	v12 =	vor.u32 s25, v1  }
0x6e: {  	v11 =	vadd.f32 v16, v7;
	v7 =	vld [tilespmem:s21+$0x0];
	s21 =	simm.s32 $0x15190  }
0x6f: {  	v9 =	vadd.f32 v17, v8;
	v8 =	vld [tilespmem:s21+$0xFFFFFF70];
	s22 =	simm.s32 $0x4  }
.LBB2_5:
0x70: {  	s1 =	sshll.u32 s22, $0x7;
	p2 =	sne.s32 s22, $0x7E;
	s22 =	sadd.s32 $0x2, s22;
	v15 =	vnsel vm0, $0x0, v3;
	v3 =	vld.idx.msk [tilespmem:v13+s7+$0x0], $0xf;
	v10 =	vadd.f32 v10, v11  }
.Ltmp3:
0x71: {  	v9 =	vadd.f32 v4, v9;
	v13 =	vor.u32 s1, v1;
	v4 =	vld [tilespmem:s21+$0xFFFFFF80];
	v14 =	vadd.f32 v15, v14;
	(pc) =	sbr.rel @p2 .LBB2_5-.Ltmp3, $4  }
0x72: {  	s1 =	sadd.s32 $0x80, s1;
	v15 =	vnsel vm0, $0x0, v5;
	v5 =	vld.idx.msk [tilespmem:v12+s7+$0x0], $0xf;
	v11 =	vadd.f32 v6, v10  }
0x73: {  	v12 =	vor.u32 s1, v1;
	v6 =	vld [tilespmem:s21+$0xFFFFFFF0];
	v9 =	vadd.f32 v7, v9;
	v14 =	vadd.f32 v15, v14  }
0x74: {  	v7 =	vld [tilespmem:s21+$0x0];
	s21 =	sadd.s32 $0x100, s21;
	v10 =	vmov v8  }
0x75: {  	v8 =	vld [tilespmem:s21+$0xFFFFFF70]  }
0x76: {  	_ =	sdelay $0x3  }
0x77: {  	v13 =	vld.idx.msk [tilespmem:v13+s7+$0x0], $0xf  }
0x78: {  	v15 =	vld [tilespmem:s21+$0xFFFFFF80]  }
0x79: {  	v10 =	vadd.f32 v10, v11;
	v3 =	vnsel vm0, $0x0, v3;
	v61 =	vld.idx.msk [tilespmem:v12+s7+$0x0], $0xf  }
0x7a: {  	v4 =	vadd.f32 v4, v9;
	v62 =	vld [tilespmem:s21+$0xFFFFFFF0];
	v3 =	vadd.f32 v3, v14  }
0x7b: {  	v63 =	vld [tilespmem:s21+$0x0];
	v5 =	vnsel vm0, $0x0, v5;
	v6 =	vadd.f32 v6, v10  }
.Ltmp4:
0x7c: {  	v4 =	vadd.f32 v7, v4;
	v3 =	vadd.f32 v5, v3;
	(pc) =	sbr.rel @p1 .LBB2_8-.Ltmp4, $4  }
0x7d: {  	v6 =	vadd.f32 v8, v6;
	v5 =	vnsel vm0, $0x0, v13  }
0x7e: {  	v4 =	vadd.f32 v15, v4;
	v3 =	vadd.f32 v5, v3  }
0x7f: {  	v7 =	vnsel vm0, $0x0, v61;
	v5 =	vadd.f32 v62, v6  }
0x80: {  	v4 =	vadd.f32 v63, v4;
	v3 =	vadd.f32 v7, v3  }
.Ltmp5:
0x81: {  	(pc) =	sbr.rel .LBB2_2-.Ltmp5, $4  }
0x82: {  	_ = 	snop  }
0x83: {  	s1 =	rddreg [dreg:$0x10]  }
0x84: {  	s17 =	sadd.s32 $0x1, s17;
	s1 =	sadd.s32 s18, s1  }
0x85: {  	[tilespmem:s7], [sflag:$0x2] =	stream.linear.gather [hbm4b:s1+s8], $0x4000, $0x38;
	[tilespmem:$0x195B0] =	vst v63  }
.LBB2_8:
0x86: {  	v2 =	vsub.f32 $0.0e+00, v2;
	_ =	sdelay $0x1  }
0x87: {  	v2 =	vmul.f32 $1.442695020e+00, v2;
	_ =	sdelay $0x1  }
0x88: {  	(erf) = vpow2.f32 v2;
	_ =	sdelay $0x8  }
0x89: {  	v2 =	vpop (erf)  }
0x8a: {  	v2 =	vadd.f32 $1.000000000e+00, v2;
	_ =	sdelay $0x1  }
0x8b: {  	(erf) = vrcp.f32 v2;
	_ =	sdelay $0x5  }
0x8c: {  	[tilespmem:$0x19200] =	vst v5  }
0x8d: {  	[tilespmem:$0x19210] =	vst v4  }
0x8e: {  	s1 =	rddreg [dreg:$0x11];
	s3 =	simm.s32 $0x19200;
	s18 =	simm.s32 $0xF;
	[tilespmem:$0x19220] =	vst v3  }
0x8f: {  	[spmem:s1] =	stream.linear.scatter [tilespmem:s3], [sflag:$0xF], $0x30, $0x38;
	v2 =	vpop (erf);
	[tilespmem:$0x195B0] =	vst v63  }
0x90: {  	_ =	swait.ge [sflag:s18], $0x30  }
0x91: {  	[sflag:s18] =	ssyncset.done $0x0  }
0x92: {  	[sflag:s18] =	ssyncadd.s32 $0xFFFFFFD0  }
0x93: {  	[bflag:$0x0] =	sbarrier.arrive $0xFFFF  }
0x94: {  	s17 =	simm.s32 $0x19280;
	s21 =	rddreg [dreg:$0x7]  }
0x95: {  	[tilespmem:s17], [sflag:$0xF] =	stream.linear.gather [spmem:s21], $0x300, $0x38;
	[tilespmem:$0x195B0] =	vst v63  }
0x96: {  	_ =	swait.ge [sflag:s18], $0x300  }
0x97: {  	[sflag:s18] =	ssyncset.done $0x0  }
0x98: {  	[sflag:s18] =	ssyncadd.s32 $0xFFFFFD00  }
0x99: {  	v3 =	vld [tilespmem:$0x19280]  }
0x9a: {  	v4 =	vld [tilespmem:$0x192B0]  }
0x9b: {  	v5 =	vld [tilespmem:$0x192E0]  }
0x9c: {  	v6 =	vld [tilespmem:$0x19310]  }
0x9d: {  	v7 =	vld [tilespmem:$0x19340]  }
0x9e: {  	v8 =	vld [tilespmem:$0x19370]  }
0x9f: {  	v9 =	vld [tilespmem:$0x193A0]  }
0xa0: {  	v10 =	vld [tilespmem:$0x193D0]  }
0xa1: {  	v11 =	vld [tilespmem:$0x19400]  }
0xa2: {  	v12 =	vld [tilespmem:$0x19430]  }
0xa3: {  	v13 =	vld [tilespmem:$0x19460]  }
0xa4: {  	v14 =	vld [tilespmem:$0x19490]  }
0xa5: {  	v15 =	vld [tilespmem:$0x194C0]  }
0xa6: {  	v16 =	vld [tilespmem:$0x194F0]  }
0xa7: {  	v17 =	vld [tilespmem:$0x19520]  }
0xa8: {  	v18 =	vld [tilespmem:$0x19550]  }
0xa9: {  	v19 =	vld [tilespmem:$0x19290]  }
0xaa: {  	v20 =	vld [tilespmem:$0x192A0]  }
0xab: {  	v21 =	vld [tilespmem:$0x192C0]  }
0xac: {  	v22 =	vld [tilespmem:$0x192D0]  }
0xad: {  	v23 =	vld [tilespmem:$0x192F0];
	v3 =	vadd.f32 $0.0e+00, v3  }
0xae: {  	v24 =	vld [tilespmem:$0x19300];
	v19 =	vadd.f32 $0.0e+00, v19  }
0xaf: {  	v20 =	vadd.f32 $0.0e+00, v20;
	v3 =	vadd.f32 v4, v3;
	v4 =	vld [tilespmem:$0x19320]  }
0xb0: {  	v58 =	vld [tilespmem:$0x19330];
	v19 =	vadd.f32 v21, v19  }
0xb1: {  	v59 =	vld [tilespmem:$0x19350];
	v3 =	vadd.f32 v5, v3;
	v5 =	vadd.f32 v22, v20  }
0xb2: {  	v60 =	vld [tilespmem:$0x19360];
	v19 =	vadd.f32 v23, v19  }
0xb3: {  	v3 =	vadd.f32 v6, v3;
	v5 =	vadd.f32 v24, v5;
	v6 =	vld [tilespmem:$0x19380]  }
0xb4: {  	v61 =	vld [tilespmem:$0x19390];
	v4 =	vadd.f32 v4, v19  }
0xb5: {  	v3 =	vadd.f32 v7, v3;
	v5 =	vadd.f32 v58, v5;
	v7 =	vld [tilespmem:$0x193B0]  }
0xb6: {  	v62 =	vld [tilespmem:$0x193C0];
	v4 =	vadd.f32 v59, v4  }
0xb7: {  	v3 =	vadd.f32 v8, v3;
	v5 =	vadd.f32 v60, v5;
	v8 =	vld [tilespmem:$0x193E0]  }
0xb8: {  	v4 =	vadd.f32 v6, v4;
	v6 =	vld [tilespmem:$0x193F0]  }
0xb9: {  	v3 =	vadd.f32 v9, v3;
	v5 =	vadd.f32 v61, v5;
	v9 =	vld [tilespmem:$0x19410]  }
0xba: {  	v4 =	vadd.f32 v7, v4;
	v7 =	vld [tilespmem:$0x19420]  }
0xbb: {  	v3 =	vadd.f32 v10, v3;
	v5 =	vadd.f32 v62, v5;
	v10 =	vld [tilespmem:$0x19440]  }
0xbc: {  	v4 =	vadd.f32 v8, v4;
	v8 =	vld [tilespmem:$0x19450]  }
0xbd: {  	v3 =	vadd.f32 v11, v3;
	v5 =	vadd.f32 v6, v5;
	v6 =	vld [tilespmem:$0x19470]  }
0xbe: {  	v4 =	vadd.f32 v9, v4;
	v9 =	vld [tilespmem:$0x19480]  }
0xbf: {  	v3 =	vadd.f32 v12, v3;
	v5 =	vadd.f32 v7, v5;
	v7 =	vld [tilespmem:$0x194A0]  }
0xc0: {  	v4 =	vadd.f32 v10, v4;
	v10 =	vld [tilespmem:$0x194B0]  }
0xc1: {  	v11 =	vld [tilespmem:$0x194D0];
	v3 =	vadd.f32 v13, v3;
	v5 =	vadd.f32 v8, v5  }
0xc2: {  	v4 =	vadd.f32 v6, v4;
	v6 =	vld [tilespmem:$0x194E0]  }
0xc3: {  	v8 =	vld [tilespmem:$0x19500];
	v3 =	vadd.f32 v14, v3;
	v5 =	vadd.f32 v9, v5  }
0xc4: {  	v4 =	vadd.f32 v7, v4;
	v7 =	vld [tilespmem:$0x19510]  }
0xc5: {  	v9 =	vld [tilespmem:$0x19530];
	v3 =	vadd.f32 v15, v3;
	v5 =	vadd.f32 v10, v5  }
0xc6: {  	v10 =	vld [tilespmem:$0x19540];
	v4 =	vadd.f32 v11, v4  }
0xc7: {  	v11 =	vld [tilespmem:$0x19560];
	v3 =	vadd.f32 v16, v3;
	v5 =	vadd.f32 v6, v5  }
0xc8: {  	v6 =	vld [tilespmem:$0x19570];
	v4 =	vadd.f32 v8, v4  }
0xc9: {  	v8 =	vadd.f32 v17, v3;
	v5 =	vadd.f32 v7, v5  }
0xca: {  	v3 =	vld [tilespmem:$0x19080];
	v4 =	vadd.f32 v9, v4  }
0xcb: {  	v7 =	vadd.f32 v18, v8;
	v5 =	vadd.f32 v10, v5  }
0xcc: {  	v8 =	vadd.f32 v11, v4;
	v4 =	vld [tilespmem:$0x19090]  }
0xcd: {  	v7 =	vmul.f32 $1.220703100e-06, v7;
	v6 =	vadd.f32 v6, v5;
	v5 =	vld [tilespmem:$0x190A0]  }
0xce: {  	v8 =	vmul.f32 $1.220703100e-06, v8  }
0xcf: {  	[tilespmem:$0x19100] =	vst v7;
	v6 =	vmul.f32 $1.220703100e-06, v6  }
0xd0: {  	[tilespmem:$0x19110] =	vst v8  }
0xd1: {  	s22 =	simm.s32 $0x19000;
	v13 =	vld [tilespmem:$0x19020];
	[tilespmem:$0x19120] =	vst v6  }
0xd2: {  	s25 =	simm.s32 $0x19100;
	v6 =	vld.idx.msk [tilespmem:v3+s22+$0x0], $0xffff  }
0xd3: {  	v12 =	vld.idx.msk [tilespmem:v3+s25+$0x0], $0xffff  }
0xd4: {  	v7 =	vld.idx.msk [tilespmem:v4+s22+$0x0], $0xffff  }
0xd5: {  	v8 =	vld.idx.msk [tilespmem:v5+s22+$0x0], $0xffff  }
0xd6: {  	v9 =	vld [tilespmem:$0x19000]  }
0xd7: {  	v11 =	vld [tilespmem:$0x19010];
	v10 =	vshll.u32 v6, $0x3  }
0xd8: {  	v17 =	vand.u32 $0x7F, v13;
	v6 =	vand.u32 $0x7F, v6;
	v10 =	vand.u32 $0xFFFFFC00, v10  }
0xd9: {  	v6 =	vor.u32 v6, v10;
	v10 =	vand.u32 $0x7F, v7;
	v7 =	vshll.u32 v7, $0x3  }
0xda: {  	v15 =	vld.idx.msk [tilespmem:v4+s25+$0x0], $0xffff;
	v12 =	vmul.f32 v12, v2;
	v14 =	vshll.u32 v8, $0x3;
	v7 =	vand.u32 $0xFFFFFC00, v7  }
0xdb: {  	v16 =	vld.idx.msk [tilespmem:v5+s25+$0x0], $0xffff;
	v8 =	vand.u32 $0x7F, v8;
	v14 =	vand.u32 $0xFFFFFC00, v14;
	v7 =	vor.u32 v10, v7  }
0xdc: {  	v10 =	vshll.u32 v9, $0x3;
	v8 =	vor.u32 v8, v14;
	v14 =	vshll.u32 v11, $0x3  }
0xdd: {  	v9 =	vand.u32 $0x7F, v9;
	v11 =	vand.u32 $0x7F, v11;
	v14 =	vand.u32 $0xFFFFFC00, v14  }
0xde: {  	v10 =	vand.u32 $0xFFFFFC00, v10;
	v11 =	vor.u32 v11, v14;
	v14 =	vshll.u32 v13, $0x3  }
0xdf: {  	v9 =	vor.u32 v9, v10;
	v10 =	vmul.f32 $1.999999960e-02, v2;
	v63 =	vand.u32 $0xFFFFFC00, v14  }
0xe0: {  	s25 =	simm.s32 $0x0;
	v13 =	vmul.f32 v15, v2;
	v14 =	vmul.f32 v16, v2;
	v15 =	vor.u32 v17, v63  }
.LBB2_9:
0xe1: {  	s1 =	simm.s32 $0x0  }
0xe2: {  	v16 =	vmov s1  }
0xe3: {  	v16 =	vshll.u32 v16, $0x7  }
0xe4: {  	v19 =	vbroadcast v16, $0x0  }
0xe5: {  	_ =	swait.ge [sflag:s26], $0x4000  }
0xe6: {  	[sflag:s26] =	ssyncset.done $0x0;
	v16 =	vadd.s32 v4, v19  }
0xe7: {  	[sflag:s26] =	ssyncadd.s32 $0xFFFFC000;
	v20 =	vadd.s32 v5, v19  }
0xe8: {  	_ =	swait.ge [sflag:s4], $0x400;
	v17 =	vadd.s32 v3, v19  }
0xe9: {  	[sflag:s4] =	ssyncset.done $0x0  }
0xea: {  	v18 =	vor.u32 v19, v6;
	[sflag:s4] =	ssyncadd.s32 $0xFFFFFC00  }
0xeb: {  	v21 =	vor.u32 v19, v7;
	v22 =	vld.idx.msk [tilespmem:v16+s29+$0x0], $0xffff  }
0xec: {  	v23 =	vor.u32 v19, v8;
	v20 =	vld.idx.msk [tilespmem:v20+s29+$0x0], $0xf  }
0xed: {  	v16 =	vld.idx.msk [tilespmem:v17+s29+$0x0], $0xffff;
	_ =	sdelay $0x1  }
0xee: {  	v18 =	vld.idx.msk [tilespmem:v18+s8+$0x0], $0xffff  }
0xef: {  	s22 =	simm.s32 $0x1;
	v24 =	vld.idx.msk [tilespmem:v21+s8+$0x0], $0xffff  }
0xf0: {  	v17 =	vmov s22;
	v25 =	vmul.f32 v22, v10;
	v22 =	vmul.f32 v20, v10;
	v20 =	vld.idx.msk [tilespmem:v23+s8+$0x0], $0xf  }
0xf1: {  	v17 =	vshll.u32 v17, $0x7;
	v21 =	vmul.f32 v16, v10  }
0xf2: {  	v16 =	vbroadcast v17, $0x0;
	v17 =	vor.u32 v19, v9  }
0xf3: {  	v21 =	vadd.f32 v21, v18;
	v18 =	vor.u32 v19, v11  }
0xf4: {  	s17 =	simm.s32 $0x2;
	v23 =	vadd.f32 v25, v24;
	v19 =	vor.u32 v19, v15  }
.LBB2_10:
0xf5: {  	p1 =	sne.s32 s17, $0x7;
	v24 =	vadd.s32 v4, v16;
	v21 =	vsub.f32 v21, v12;
	v20 =	vadd.f32 v22, v20  }
0xf6: {  	v22 =	vadd.s32 v3, v16;
	v23 =	vsub.f32 v23, v13  }
0xf7: {  	v25 =	vor.u32 v16, v6;
	v20 =	vsub.f32 v20, v14;
	[tilespmem:v17+s8+$0x0] =	vst.idx.msk $0xffff, v21  }
0xf8: {  	v17 =	vadd.s32 v5, v16;
	[tilespmem:v18+s8+$0x0] =	vst.idx.msk $0xffff, v23  }
0xf9: {  	v18 =	vor.u32 v16, v7;
	[tilespmem:v19+s8+$0x0] =	vst.idx.msk $0xf, v20  }
0xfa: {  	v20 =	vor.u32 v16, v8;
	v19 =	vld.idx.msk [tilespmem:v24+s29+$0x0], $0xffff  }
0xfb: {  	v21 =	vld.idx.msk [tilespmem:v22+s29+$0x0], $0xffff  }
0xfc: {  	v22 =	vld.idx.msk [tilespmem:v25+s8+$0x0], $0xffff  }
0xfd: {  	v23 =	vld.idx.msk [tilespmem:v17+s29+$0x0], $0xf  }
0xfe: {  	v24 =	vld.idx.msk [tilespmem:v18+s8+$0x0], $0xffff  }
0xff: {  	v20 =	vld.idx.msk [tilespmem:v20+s8+$0x0], $0xf  }
.Ltmp6:
0x100: {  	v17 =	vmov s17;
	(pc) =	sbr.rel @p1 .LBB2_10-.Ltmp6, $4  }
0x101: {  	v17 =	vshll.u32 v17, $0x7;
	v18 =	vmul.f32 v21, v10  }
0x102: {  	v25 =	vbroadcast v17, $0x0;
	v19 =	vmul.f32 v19, v10;
	v17 =	vor.u32 v16, v9  }
0x103: {  	v21 =	vadd.f32 v18, v22;
	v22 =	vmul.f32 v23, v10;
	v18 =	vor.u32 v16, v11  }
0x104: {  	s17 =	sadd.s32 $0x1, s17;
	v23 =	vadd.f32 v19, v24;
	v19 =	vor.u32 v16, v15;
	v16 =	vmov v25  }
0x105: {  	_ =	sdelay $0x1  }
0x106: {  	v24 =	vadd.s32 v4, v16;
	v21 =	vsub.f32 v21, v12;
	v20 =	vadd.f32 v22, v20  }
0x107: {  	v22 =	vadd.s32 v3, v16;
	v23 =	vsub.f32 v23, v13  }
0x108: {  	v25 =	vor.u32 v16, v6;
	v20 =	vsub.f32 v20, v14;
	[tilespmem:v17+s8+$0x0] =	vst.idx.msk $0xffff, v21  }
0x109: {  	v17 =	vadd.s32 v5, v16;
	[tilespmem:v18+s8+$0x0] =	vst.idx.msk $0xffff, v23  }
0x10a: {  	v18 =	vor.u32 v16, v7;
	[tilespmem:v19+s8+$0x0] =	vst.idx.msk $0xf, v20  }
0x10b: {  	v20 =	vor.u32 v16, v8;
	v19 =	vld.idx.msk [tilespmem:v24+s29+$0x0], $0xffff  }
0x10c: {  	v21 =	vld.idx.msk [tilespmem:v22+s29+$0x0], $0xffff  }
0x10d: {  	v22 =	vld.idx.msk [tilespmem:v25+s8+$0x0], $0xffff  }
0x10e: {  	v17 =	vld.idx.msk [tilespmem:v17+s29+$0x0], $0xf  }
0x10f: {  	v18 =	vld.idx.msk [tilespmem:v18+s8+$0x0], $0xffff  }
0x110: {  	v20 =	vld.idx.msk [tilespmem:v20+s8+$0x0], $0xf  }
0x111: {  	v21 =	vmul.f32 v21, v10  }
0x112: {  	v23 =	vor.u32 v16, v9;
	v19 =	vmul.f32 v19, v10  }
0x113: {  	v21 =	vadd.f32 v21, v22;
	v17 =	vmul.f32 v17, v10;
	v22 =	vor.u32 v16, v11  }
0x114: {  	v16 =	vor.u32 v16, v15;
	v18 =	vadd.f32 v19, v18  }
0x115: {  	v19 =	vsub.f32 v21, v12;
	v17 =	vadd.f32 v17, v20  }
0x116: {  	v18 =	vsub.f32 v18, v13  }
0x117: {  	s18 =	sshll.u32 s25, $0x2;
	v17 =	vsub.f32 v17, v14;
	[tilespmem:v23+s8+$0x0] =	vst.idx.msk $0xffff, v19  }
0x118: {  	s1 =	sshll.u32 s25, $0xD;
	p1 =	seq.s32 s25, $0x0;
	s17 =	sor.u32 $0x2, s18;
	[tilespmem:v22+s8+$0x0] =	vst.idx.msk $0xffff, v18  }
0x119: {  	s22 =	sadd.s32 s1, s20;
	s1 =	simm.s32 @!p1 $0xD;
	s21 =	sor.u32 s10, s17;
	[tilespmem:v16+s8+$0x0] =	vst.idx.msk $0xf, v17  }
0x11a: {  	[hbm4b:s22+s8] =	stream.linear.scatter [tilespmem:s8], [sflag:$0xB], $0x4000, $0x38;
	[tilespmem:$0x195B0] =	vst v63  }
0x11b: {  	s3 =	sshll.u32 s21, $0xB;
	_ =	swait.ge @!p1 [sflag:s1], $0x4000  }
0x11c: {  	s21 =	sshll.u32 s21, $0x7;
	s3 =	sand.u32 $0x1FFFF000, s3;
	[sflag:s1] =	ssyncset.done @!p1 $0x0  }
0x11d: {  	[sflag:s1] =	ssyncadd.s32 @!p1 $0xFFFFC000;
	s1 =	sadd.s32 s0, s3;
	s3 =	simm.s32 $0x0  }
0x11e: {  	[tilespmem:s5], [sflag:$0x5] =	stream.linear.gather [hbm4b:s1+s3], $0x4000, $0x38;
	[tilespmem:$0x195B0] =	vst v63  }
0x11f: {  	s1 =	sand.u32 $0x1FFFFF00, s21;
	v16 =	vmov s3  }
0x120: {  	s1 =	sadd.s32 s9, s1;
	v16 =	vshll.u32 v16, $0x7  }
0x121: {  	[tilespmem:s11], [sflag:$0x9] =	stream.linear.gather [hbm4b:s1+s3], $0x400, $0x38;
	v19 =	vbroadcast v16, $0x0;
	[tilespmem:$0x195B0] =	vst v63  }
0x122: {  	_ =	swait.ge [sflag:s12], $0x4000  }
0x123: {  	[sflag:s12] =	ssyncset.done $0x0;
	v16 =	vadd.s32 v4, v19  }
0x124: {  	v20 =	vadd.s32 v5, v19;
	[sflag:s12] =	ssyncadd.s32 $0xFFFFC000  }
0x125: {  	v17 =	vadd.s32 v3, v19;
	_ =	swait.ge [sflag:s13], $0x400  }
0x126: {  	[sflag:s13] =	ssyncset.done $0x0  }
0x127: {  	v18 =	vor.u32 v19, v6;
	[sflag:s13] =	ssyncadd.s32 $0xFFFFFC00  }
0x128: {  	v21 =	vor.u32 v19, v7;
	v22 =	vld.idx.msk [tilespmem:v16+s31+$0x0], $0xffff  }
0x129: {  	v23 =	vor.u32 v19, v8;
	v20 =	vld.idx.msk [tilespmem:v20+s31+$0x0], $0xf  }
0x12a: {  	v16 =	vld.idx.msk [tilespmem:v17+s31+$0x0], $0xffff;
	_ =	sdelay $0x1  }
0x12b: {  	v18 =	vld.idx.msk [tilespmem:v18+s30+$0x0], $0xffff  }
0x12c: {  	s21 =	simm.s32 $0x1;
	v62 =	vld.idx.msk [tilespmem:v21+s30+$0x0], $0xffff  }
0x12d: {  	v17 =	vmov s21;
	v63 =	vmul.f32 v22, v10;
	v22 =	vmul.f32 v20, v10;
	v20 =	vld.idx.msk [tilespmem:v23+s30+$0x0], $0xf  }
0x12e: {  	v17 =	vshll.u32 v17, $0x7;
	v21 =	vmul.f32 v16, v10  }
0x12f: {  	v16 =	vbroadcast v17, $0x0;
	v17 =	vor.u32 v19, v9  }
0x130: {  	v21 =	vadd.f32 v21, v18;
	v18 =	vor.u32 v19, v11  }
0x131: {  	s21 =	simm.s32 $0x2;
	v23 =	vadd.f32 v63, v62;
	v19 =	vor.u32 v19, v15  }
.LBB2_12:
0x132: {  	p2 =	sne.s32 s21, $0x7;
	v24 =	vadd.s32 v4, v16;
	v21 =	vsub.f32 v21, v12;
	v20 =	vadd.f32 v22, v20  }
0x133: {  	v22 =	vadd.s32 v3, v16;
	v23 =	vsub.f32 v23, v13  }
0x134: {  	v25 =	vor.u32 v16, v6;
	v20 =	vsub.f32 v20, v14;
	[tilespmem:v17+s30+$0x0] =	vst.idx.msk $0xffff, v21  }
0x135: {  	v17 =	vadd.s32 v5, v16;
	[tilespmem:v18+s30+$0x0] =	vst.idx.msk $0xffff, v23  }
0x136: {  	v18 =	vor.u32 v16, v7;
	[tilespmem:v19+s30+$0x0] =	vst.idx.msk $0xf, v20  }
0x137: {  	v20 =	vor.u32 v16, v8;
	v19 =	vld.idx.msk [tilespmem:v24+s31+$0x0], $0xffff  }
0x138: {  	v21 =	vld.idx.msk [tilespmem:v22+s31+$0x0], $0xffff  }
0x139: {  	v22 =	vld.idx.msk [tilespmem:v25+s30+$0x0], $0xffff  }
0x13a: {  	v23 =	vld.idx.msk [tilespmem:v17+s31+$0x0], $0xf  }
0x13b: {  	v24 =	vld.idx.msk [tilespmem:v18+s30+$0x0], $0xffff  }
0x13c: {  	v20 =	vld.idx.msk [tilespmem:v20+s30+$0x0], $0xf  }
.Ltmp7:
0x13d: {  	v17 =	vmov s21;
	(pc) =	sbr.rel @p2 .LBB2_12-.Ltmp7, $4  }
0x13e: {  	v17 =	vshll.u32 v17, $0x7;
	v18 =	vmul.f32 v21, v10  }
0x13f: {  	v25 =	vbroadcast v17, $0x0;
	v19 =	vmul.f32 v19, v10;
	v17 =	vor.u32 v16, v9  }
0x140: {  	v21 =	vadd.f32 v18, v22;
	v22 =	vmul.f32 v23, v10;
	v18 =	vor.u32 v16, v11  }
0x141: {  	s21 =	sadd.s32 $0x1, s21;
	v23 =	vadd.f32 v19, v24;
	v19 =	vor.u32 v16, v15;
	v16 =	vmov v25  }
0x142: {  	_ =	sdelay $0x1  }
0x143: {  	v24 =	vadd.s32 v4, v16;
	v21 =	vsub.f32 v21, v12;
	v20 =	vadd.f32 v22, v20  }
0x144: {  	v22 =	vadd.s32 v3, v16;
	v23 =	vsub.f32 v23, v13  }
0x145: {  	v25 =	vor.u32 v16, v6;
	v20 =	vsub.f32 v20, v14;
	[tilespmem:v17+s30+$0x0] =	vst.idx.msk $0xffff, v21  }
0x146: {  	v17 =	vadd.s32 v5, v16;
	[tilespmem:v18+s30+$0x0] =	vst.idx.msk $0xffff, v23  }
0x147: {  	v18 =	vor.u32 v16, v7;
	[tilespmem:v19+s30+$0x0] =	vst.idx.msk $0xf, v20  }
0x148: {  	v20 =	vor.u32 v16, v8;
	v19 =	vld.idx.msk [tilespmem:v24+s31+$0x0], $0xffff  }
0x149: {  	v21 =	vld.idx.msk [tilespmem:v22+s31+$0x0], $0xffff  }
0x14a: {  	v22 =	vld.idx.msk [tilespmem:v25+s30+$0x0], $0xffff  }
0x14b: {  	v17 =	vld.idx.msk [tilespmem:v17+s31+$0x0], $0xf  }
0x14c: {  	v18 =	vld.idx.msk [tilespmem:v18+s30+$0x0], $0xffff  }
0x14d: {  	v20 =	vld.idx.msk [tilespmem:v20+s30+$0x0], $0xf  }
0x14e: {  	v21 =	vmul.f32 v21, v10  }
0x14f: {  	v23 =	vor.u32 v16, v9;
	v19 =	vmul.f32 v19, v10  }
0x150: {  	v21 =	vadd.f32 v21, v22;
	v17 =	vmul.f32 v17, v10;
	v22 =	vor.u32 v16, v11  }
0x151: {  	v16 =	vor.u32 v16, v15;
	v18 =	vadd.f32 v19, v18  }
0x152: {  	v19 =	vsub.f32 v21, v12;
	v17 =	vadd.f32 v17, v20  }
0x153: {  	v18 =	vsub.f32 v18, v13  }
0x154: {  	v17 =	vsub.f32 v17, v14;
	[tilespmem:v23+s30+$0x0] =	vst.idx.msk $0xffff, v19  }
0x155: {  	[tilespmem:v22+s30+$0x0] =	vst.idx.msk $0xffff, v18  }
0x156: {  	s1 =	sadd.s32 $0x800, s22;
	s22 =	sor.u32 $0x3, s18;
	[tilespmem:v16+s30+$0x0] =	vst.idx.msk $0xf, v17  }
0x157: {  	[hbm4b:s1+s8] =	stream.linear.scatter [tilespmem:s30], [sflag:$0xC], $0x4000, $0x38;
	[tilespmem:$0x195B0] =	vst v63  }
0x158: {  	s3 =	sor.u32 s10, s22;
	s1 =	simm.s32 @!p1 $0xE  }
0x159: {  	s21 =	sshll.u32 s3, $0xB;
	_ =	swait.ge @!p1 [sflag:s1], $0x4000  }
0x15a: {  	s3 =	sshll.u32 s3, $0x7;
	s21 =	sand.u32 $0x1FFFF800, s21;
	[sflag:s1] =	ssyncset.done @!p1 $0x0  }
0x15b: {  	[sflag:s1] =	ssyncadd.s32 @!p1 $0xFFFFC000;
	s1 =	sadd.s32 s0, s21;
	s21 =	simm.s32 $0x0  }
0x15c: {  	[tilespmem:s28], [sflag:$0x6] =	stream.linear.gather [hbm4b:s1+s21], $0x4000, $0x38;
	[tilespmem:$0x195B0] =	vst v63  }
0x15d: {  	s1 =	sand.u32 $0x1FFFFF80, s3;
	v16 =	vmov s21  }
0x15e: {  	s1 =	sadd.s32 s9, s1;
	v16 =	vshll.u32 v16, $0x7  }
0x15f: {  	[tilespmem:s15], [sflag:$0xA] =	stream.linear.gather [hbm4b:s1+s21], $0x400, $0x38;
	v19 =	vbroadcast v16, $0x0;
	[tilespmem:$0x195B0] =	vst v63  }
0x160: {  	_ =	swait.ge [sflag:s16], $0x4000  }
0x161: {  	[sflag:s16] =	ssyncset.done $0x0;
	v16 =	vadd.s32 v4, v19  }
0x162: {  	v20 =	vadd.s32 v5, v19;
	[sflag:s16] =	ssyncadd.s32 $0xFFFFC000  }
0x163: {  	v17 =	vadd.s32 v3, v19;
	_ =	swait.ge [sflag:s19], $0x400  }
0x164: {  	[sflag:s19] =	ssyncset.done $0x0  }
0x165: {  	v18 =	vor.u32 v19, v6;
	[sflag:s19] =	ssyncadd.s32 $0xFFFFFC00  }
0x166: {  	v21 =	vor.u32 v19, v7;
	v22 =	vld.idx.msk [tilespmem:v16+s11+$0x0], $0xffff  }
0x167: {  	v23 =	vor.u32 v19, v8;
	v20 =	vld.idx.msk [tilespmem:v20+s11+$0x0], $0xf  }
0x168: {  	v16 =	vld.idx.msk [tilespmem:v17+s11+$0x0], $0xffff;
	_ =	sdelay $0x1  }
0x169: {  	v18 =	vld.idx.msk [tilespmem:v18+s5+$0x0], $0xffff  }
0x16a: {  	s21 =	simm.s32 $0x1;
	v62 =	vld.idx.msk [tilespmem:v21+s5+$0x0], $0xffff  }
0x16b: {  	v17 =	vmov s21;
	v63 =	vmul.f32 v22, v10;
	v22 =	vmul.f32 v20, v10;
	v20 =	vld.idx.msk [tilespmem:v23+s5+$0x0], $0xf  }
0x16c: {  	v17 =	vshll.u32 v17, $0x7;
	v21 =	vmul.f32 v16, v10  }
0x16d: {  	v16 =	vbroadcast v17, $0x0;
	v17 =	vor.u32 v19, v9  }
0x16e: {  	v21 =	vadd.f32 v21, v18;
	v18 =	vor.u32 v19, v11  }
0x16f: {  	s21 =	simm.s32 $0x2;
	v23 =	vadd.f32 v63, v62;
	v19 =	vor.u32 v19, v15  }
.LBB2_14:
0x170: {  	p1 =	sne.s32 s21, $0x7;
	v24 =	vadd.s32 v4, v16;
	v21 =	vsub.f32 v21, v12;
	v20 =	vadd.f32 v22, v20  }
0x171: {  	v22 =	vadd.s32 v3, v16;
	v23 =	vsub.f32 v23, v13  }
0x172: {  	v25 =	vor.u32 v16, v6;
	v20 =	vsub.f32 v20, v14;
	[tilespmem:v17+s5+$0x0] =	vst.idx.msk $0xffff, v21  }
0x173: {  	v17 =	vadd.s32 v5, v16;
	[tilespmem:v18+s5+$0x0] =	vst.idx.msk $0xffff, v23  }
0x174: {  	v18 =	vor.u32 v16, v7;
	[tilespmem:v19+s5+$0x0] =	vst.idx.msk $0xf, v20  }
0x175: {  	v20 =	vor.u32 v16, v8;
	v19 =	vld.idx.msk [tilespmem:v24+s11+$0x0], $0xffff  }
0x176: {  	v21 =	vld.idx.msk [tilespmem:v22+s11+$0x0], $0xffff  }
0x177: {  	v22 =	vld.idx.msk [tilespmem:v25+s5+$0x0], $0xffff  }
0x178: {  	v23 =	vld.idx.msk [tilespmem:v17+s11+$0x0], $0xf  }
0x179: {  	v24 =	vld.idx.msk [tilespmem:v18+s5+$0x0], $0xffff  }
0x17a: {  	v20 =	vld.idx.msk [tilespmem:v20+s5+$0x0], $0xf  }
.Ltmp8:
0x17b: {  	v17 =	vmov s21;
	(pc) =	sbr.rel @p1 .LBB2_14-.Ltmp8, $4  }
0x17c: {  	v17 =	vshll.u32 v17, $0x7;
	v18 =	vmul.f32 v21, v10  }
0x17d: {  	v25 =	vbroadcast v17, $0x0;
	v19 =	vmul.f32 v19, v10;
	v17 =	vor.u32 v16, v9  }
0x17e: {  	v21 =	vadd.f32 v18, v22;
	v22 =	vmul.f32 v23, v10;
	v18 =	vor.u32 v16, v11  }
0x17f: {  	s21 =	sadd.s32 $0x1, s21;
	v23 =	vadd.f32 v19, v24;
	v19 =	vor.u32 v16, v15;
	v16 =	vmov v25  }
0x180: {  	_ =	sdelay $0x1  }
0x181: {  	v24 =	vadd.s32 v4, v16;
	v21 =	vsub.f32 v21, v12;
	v20 =	vadd.f32 v22, v20  }
0x182: {  	v22 =	vadd.s32 v3, v16;
	v23 =	vsub.f32 v23, v13  }
0x183: {  	v25 =	vor.u32 v16, v6;
	v20 =	vsub.f32 v20, v14;
	[tilespmem:v17+s5+$0x0] =	vst.idx.msk $0xffff, v21  }
0x184: {  	v17 =	vadd.s32 v5, v16;
	[tilespmem:v18+s5+$0x0] =	vst.idx.msk $0xffff, v23  }
0x185: {  	v18 =	vor.u32 v16, v7;
	[tilespmem:v19+s5+$0x0] =	vst.idx.msk $0xf, v20  }
0x186: {  	v20 =	vor.u32 v16, v8;
	v19 =	vld.idx.msk [tilespmem:v24+s11+$0x0], $0xffff  }
0x187: {  	v21 =	vld.idx.msk [tilespmem:v22+s11+$0x0], $0xffff  }
0x188: {  	v22 =	vld.idx.msk [tilespmem:v25+s5+$0x0], $0xffff  }
0x189: {  	v17 =	vld.idx.msk [tilespmem:v17+s11+$0x0], $0xf  }
0x18a: {  	v18 =	vld.idx.msk [tilespmem:v18+s5+$0x0], $0xffff  }
0x18b: {  	v20 =	vld.idx.msk [tilespmem:v20+s5+$0x0], $0xf  }
0x18c: {  	v21 =	vmul.f32 v21, v10  }
0x18d: {  	v23 =	vor.u32 v16, v9;
	v19 =	vmul.f32 v19, v10  }
0x18e: {  	v21 =	vadd.f32 v21, v22;
	v17 =	vmul.f32 v17, v10;
	v22 =	vor.u32 v16, v11  }
0x18f: {  	v16 =	vor.u32 v16, v15;
	v18 =	vadd.f32 v19, v18  }
0x190: {  	v19 =	vsub.f32 v21, v12;
	v17 =	vadd.f32 v17, v20  }
0x191: {  	v18 =	vsub.f32 v18, v13  }
0x192: {  	v17 =	vsub.f32 v17, v14;
	[tilespmem:v23+s5+$0x0] =	vst.idx.msk $0xffff, v19  }
0x193: {  	s1 =	sshll.u32 s17, $0xB;
	[tilespmem:v22+s5+$0x0] =	vst.idx.msk $0xffff, v18  }
0x194: {  	s1 =	sadd.s32 s1, s20;
	[tilespmem:v16+s5+$0x0] =	vst.idx.msk $0xf, v17  }
0x195: {  	[hbm4b:s1+s8] =	stream.linear.scatter [tilespmem:s5], [sflag:$0xD], $0x4000, $0x38;
	[tilespmem:$0x195B0] =	vst v63  }
0x196: {  	p1 =	seq.s32 s25, $0xF;
	s1 =	rddreg [dreg:$0x12]  }
0x197: {  	s21 =	simm.s32 $0x0;
	s1 =	sadd.s32 @!p1 s18, s1  }
0x198: {  	s17 =	simm.s32 @!p1 $0x0;
	_ =	swait.ge [sflag:s23], $0x4000;
	s3 =	sshll.u32 @!p1 s1, $0xB  }
0x199: {  	[sflag:s23] =	ssyncset.done $0x0;
	s1 =	sshll.u32 @!p1 s1, $0x7;
	s3 =	sand.u32 @!p1 $0x1FFFE000, s3  }
0x19a: {  	[sflag:s23] =	ssyncadd.s32 $0xFFFFC000;
	s1 =	sand.u32 @!p1 $0x1FFFFE00, s1;
	s3 =	sadd.s32 @!p1 s0, s3  }
0x19b: {  	v16 =	vmov s21;
	[tilespmem:s17], [sflag:$0x3] =	stream.linear.gather @!p1 [hbm4b:s3+s17], $0x4000, $0x38;
	[tilespmem:$0x195B0] =	vst v63  }
0x19c: {  	v16 =	vshll.u32 v16, $0x7;
	s1 =	sadd.s32 @!p1 s9, s1;
	s3 =	simm.s32 @!p1 $0x10000  }
0x19d: {  	v19 =	vbroadcast v16, $0x0;
	[tilespmem:s3], [sflag:$0x7] =	stream.linear.gather @!p1 [hbm4b:s1+s17], $0x400, $0x38;
	[tilespmem:$0x195B0] =	vst v63  }
0x19e: {  	_ =	swait.ge [sflag:s14], $0x4000  }
0x19f: {  	v16 =	vadd.s32 v4, v19;
	[sflag:s14] =	ssyncset.done $0x0  }
0x1a0: {  	v20 =	vadd.s32 v5, v19;
	[sflag:s14] =	ssyncadd.s32 $0xFFFFC000  }
0x1a1: {  	v17 =	vadd.s32 v3, v19;
	_ =	swait.ge [sflag:s6], $0x400  }
0x1a2: {  	[sflag:s6] =	ssyncset.done $0x0  }
0x1a3: {  	v18 =	vor.u32 v19, v6;
	[sflag:s6] =	ssyncadd.s32 $0xFFFFFC00  }
0x1a4: {  	v21 =	vor.u32 v19, v7;
	v22 =	vld.idx.msk [tilespmem:v16+s15+$0x0], $0xffff  }
0x1a5: {  	v23 =	vor.u32 v19, v8;
	v20 =	vld.idx.msk [tilespmem:v20+s15+$0x0], $0xf  }
0x1a6: {  	v16 =	vld.idx.msk [tilespmem:v17+s15+$0x0], $0xffff;
	_ =	sdelay $0x1  }
0x1a7: {  	v18 =	vld.idx.msk [tilespmem:v18+s28+$0x0], $0xffff  }
0x1a8: {  	s21 =	simm.s32 $0x1;
	v62 =	vld.idx.msk [tilespmem:v21+s28+$0x0], $0xffff  }
0x1a9: {  	v17 =	vmov s21;
	v63 =	vmul.f32 v22, v10;
	v22 =	vmul.f32 v20, v10;
	v20 =	vld.idx.msk [tilespmem:v23+s28+$0x0], $0xf  }
0x1aa: {  	v17 =	vshll.u32 v17, $0x7;
	v21 =	vmul.f32 v16, v10  }
0x1ab: {  	v16 =	vbroadcast v17, $0x0;
	v17 =	vor.u32 v19, v9  }
0x1ac: {  	v21 =	vadd.f32 v21, v18;
	v18 =	vor.u32 v19, v11  }
0x1ad: {  	s17 =	simm.s32 $0x2;
	v23 =	vadd.f32 v63, v62;
	v19 =	vor.u32 v19, v15  }
.LBB2_16:
0x1ae: {  	p2 =	sne.s32 s17, $0x7;
	v24 =	vadd.s32 v4, v16;
	v21 =	vsub.f32 v21, v12;
	v20 =	vadd.f32 v22, v20  }
0x1af: {  	v22 =	vadd.s32 v3, v16;
	v23 =	vsub.f32 v23, v13  }
0x1b0: {  	v25 =	vor.u32 v16, v6;
	v20 =	vsub.f32 v20, v14;
	[tilespmem:v17+s28+$0x0] =	vst.idx.msk $0xffff, v21  }
0x1b1: {  	v17 =	vadd.s32 v5, v16;
	[tilespmem:v18+s28+$0x0] =	vst.idx.msk $0xffff, v23  }
0x1b2: {  	v18 =	vor.u32 v16, v7;
	[tilespmem:v19+s28+$0x0] =	vst.idx.msk $0xf, v20  }
0x1b3: {  	v20 =	vor.u32 v16, v8;
	v19 =	vld.idx.msk [tilespmem:v24+s15+$0x0], $0xffff  }
0x1b4: {  	v21 =	vld.idx.msk [tilespmem:v22+s15+$0x0], $0xffff  }
0x1b5: {  	v22 =	vld.idx.msk [tilespmem:v25+s28+$0x0], $0xffff  }
0x1b6: {  	v23 =	vld.idx.msk [tilespmem:v17+s15+$0x0], $0xf  }
0x1b7: {  	v24 =	vld.idx.msk [tilespmem:v18+s28+$0x0], $0xffff  }
0x1b8: {  	v20 =	vld.idx.msk [tilespmem:v20+s28+$0x0], $0xf  }
.Ltmp9:
0x1b9: {  	v17 =	vmov s17;
	(pc) =	sbr.rel @p2 .LBB2_16-.Ltmp9, $4  }
0x1ba: {  	v17 =	vshll.u32 v17, $0x7;
	v18 =	vmul.f32 v21, v10  }
0x1bb: {  	v25 =	vbroadcast v17, $0x0;
	v19 =	vmul.f32 v19, v10;
	v17 =	vor.u32 v16, v9  }
0x1bc: {  	v21 =	vadd.f32 v18, v22;
	v22 =	vmul.f32 v23, v10;
	v18 =	vor.u32 v16, v11  }
0x1bd: {  	s17 =	sadd.s32 $0x1, s17;
	v23 =	vadd.f32 v19, v24;
	v19 =	vor.u32 v16, v15;
	v16 =	vmov v25  }
0x1be: {  	_ =	sdelay $0x1  }
0x1bf: {  	v24 =	vadd.s32 v4, v16;
	v21 =	vsub.f32 v21, v12;
	v20 =	vadd.f32 v22, v20  }
0x1c0: {  	v57 =	vadd.s32 v3, v16;
	v23 =	vsub.f32 v23, v13  }
0x1c1: {  	v25 =	vor.u32 v16, v6;
	v20 =	vsub.f32 v20, v14;
	[tilespmem:v17+s28+$0x0] =	vst.idx.msk $0xffff, v21  }
0x1c2: {  	v17 =	vadd.s32 v5, v16;
	[tilespmem:v18+s28+$0x0] =	vst.idx.msk $0xffff, v23  }
0x1c3: {  	v58 =	vor.u32 v16, v7;
	[tilespmem:v19+s28+$0x0] =	vst.idx.msk $0xf, v20  }
0x1c4: {  	v59 =	vor.u32 v16, v8;
	v19 =	vld.idx.msk [tilespmem:v24+s15+$0x0], $0xffff  }
0x1c5: {  	v21 =	vld.idx.msk [tilespmem:v57+s15+$0x0], $0xffff  }
0x1c6: {  	v60 =	vld.idx.msk [tilespmem:v25+s28+$0x0], $0xffff  }
0x1c7: {  	v17 =	vld.idx.msk [tilespmem:v17+s15+$0x0], $0xf  }
0x1c8: {  	v18 =	vld.idx.msk [tilespmem:v58+s28+$0x0], $0xffff  }
0x1c9: {  	v20 =	vld.idx.msk [tilespmem:v59+s28+$0x0], $0xf  }
0x1ca: {  	v21 =	vmul.f32 v21, v10  }
0x1cb: {  	v61 =	vor.u32 v16, v9;
	v19 =	vmul.f32 v19, v10  }
0x1cc: {  	v62 =	vor.u32 v16, v11;
	v21 =	vadd.f32 v21, v60;
	v17 =	vmul.f32 v17, v10  }
0x1cd: {  	v16 =	vor.u32 v16, v15;
	v18 =	vadd.f32 v19, v18  }
0x1ce: {  	v63 =	vsub.f32 v21, v12;
	v17 =	vadd.f32 v17, v20  }
0x1cf: {  	v18 =	vsub.f32 v18, v13  }
0x1d0: {  	v17 =	vsub.f32 v17, v14;
	[tilespmem:v61+s28+$0x0] =	vst.idx.msk $0xffff, v63  }
0x1d1: {  	s1 =	sshll.u32 s22, $0xB;
	[tilespmem:v62+s28+$0x0] =	vst.idx.msk $0xffff, v18  }
.Ltmp10:
0x1d2: {  	s1 =	sadd.s32 s1, s20;
	[tilespmem:v16+s28+$0x0] =	vst.idx.msk $0xf, v17;
	(pc) =	sbr.rel @p1 .LBB2_19-.Ltmp10, $4  }
0x1d3: {  	[hbm4b:s1+s8] =	stream.linear.scatter [tilespmem:s28], [sflag:$0xE], $0x4000, $0x38;
	[tilespmem:$0x195B0] =	vst v63  }
0x1d4: {  	_ =	swait.ge [sflag:s24], $0x4000  }
0x1d5: {  	[sflag:s24] =	ssyncset.done $0x0  }
0x1d6: {  	[sflag:s24] =	ssyncadd.s32 $0xFFFFC000  }
0x1d7: {  	s1 =	rddreg [dreg:$0x13]  }
0x1d8: {  	s1 =	sadd.s32 s18, s1  }
0x1d9: {  	s3 =	sshll.u32 s1, $0xB  }
.Ltmp11:
0x1da: {  	s1 =	sshll.u32 s1, $0x7;
	s3 =	sand.u32 $0x1FFFE800, s3;
	(pc) =	sbr.rel .LBB2_9-.Ltmp11, $4  }
0x1db: {  	s1 =	sand.u32 $0x1FFFFE80, s1;
	s3 =	sadd.s32 s0, s3  }
0x1dc: {  	[tilespmem:s30], [sflag:$0x4] =	stream.linear.gather [hbm4b:s3+s8], $0x4000, $0x38;
	[tilespmem:$0x195B0] =	vst v63  }
0x1dd: {  	s25 =	sadd.s32 $0x1, s25;
	s1 =	sadd.s32 s9, s1  }
0x1de: {  	[tilespmem:s31], [sflag:$0x8] =	stream.linear.gather [hbm4b:s1+s8], $0x400, $0x38;
	[tilespmem:$0x195B0] =	vst v63  }
.LBB2_20:
0x1df: {  	_ =	sfence.sel $0x180000  }
0x1e0: {  	[bflag:$0x0] =	sbarrier.arrive $0xFFFF  }
0x1e1: {  	_ =	strace $0x90000047  }
0x1e2: {  	s0 =	stileid.u32;
	[bflag:$0x2] =	sbarrier.arrive $0xFFFF  }
0x1e3: {  	p0 =	sne.s32 s0, $0x0;
	s0 =	rddreg [dreg:$0x8]  }
0x1e4: {  	s0 =	sadd.s32 @!p0 $0x100000, s0  }
0x1e5: {  	[sflag:s0] =	ssyncadd.tile.s32 @!p0 $0x1;
	_ =	shalt  }
.Lfunc_end2:
_tile_overlayer_lowered:
.L_overlay_start_2:
0x1e6: {  	(tag) =	ssettag $0x2  }
0x1e7: {  	s0 =	rddreg [dreg:$0x0];
	s2 =	stileid.u32  }
0x1e8: {  	s1 =	rddreg [dreg:$0x1];
	p0 =	sne.s32 s2, $0x0  }
0x1e9: {  	s3 =	rddreg [dreg:$0x2];
	[bflag:$0x3] =	sbarrier.arrive $0xFFFF;
	s2 =	simm.s32 @!p0 $0x1C0F  }
0x1ea: {  	[timem:s3], [sflag:s2] =	dma.local @!p0 [hbm:s0], s1  }
0x1eb: {  	s0 =	simm.s32 @!p0 $0xF  }
0x1ec: {  	_ =	swait.ge @!p0 [sflag:s0], s1  }
0x1ed: {  	s1 =	ssub.s32 @!p0 $0x0, s1;
	[sflag:s0] =	ssyncset.done @!p0 $0x0  }
0x1ee: {  	[sflag:s0] =	ssyncadd.s32 @!p0 s1  }
0x1ef: {  	[bflag:$0x3] =	sbarrier.arrive $0xFFFF  }
0x1f0: {  	_ =	shalt  }

</sc_bundles>
